<compile_context>
chip_gen: v7x
topology: tpu7x:2x2x1
jax: 0.10.2.dev20260603
libtpu: 0.0.44.dev20260713+nightly
codegen_flags: <defaults>
</compile_context>

<pallas_src>
import functools

import jax
import jax.numpy as jnp
from jax import lax
from jax.experimental import pallas as pl
from jax.experimental.pallas import tpu as pltpu
from jax.experimental.pallas import tpu_sc as plsc

_N = 256
_Q = 16384
_NC, _NS, _L = 2, 16, 16
_NW = _NC * _NS
_QPW = _Q // _NW
_ITERS = _QPW // _L
_HALF_ROWS = _N // 2
_INV_H = (_N - 1) / 2.0


def _f1(a):
    return (1.5 * a - 2.5) * a * a + 1.0


def _f2(a):
    return ((-0.5 * a + 2.5) * a - 4.0) * a + 2.0


_mesh = plsc.VectorSubcoreMesh(core_axis_name="c", subcore_axis_name="s")


@functools.partial(
    pl.kernel,
    out_type=jax.ShapeDtypeStruct((_Q,), jnp.float32),
    mesh=_mesh,
    scratch_types=[
        pltpu.VMEM((_N * _N // 2,), jnp.int32),
        pltpu.VMEM_SHARED((_N * _N // 2,), jnp.int32),
        pltpu.VMEM((_QPW,), jnp.int32),
        pltpu.VMEM((_QPW,), jnp.int32),
        pltpu.VMEM((_QPW,), jnp.float32),
        pltpu.SemaphoreType.DMA,
        pltpu.SemaphoreType.DMA,
    ],
    compiler_params=pltpu.CompilerParams(needs_layout_passes=False),
)
def _spline_sc(buf_hbm, out_hbm,
               w_v, w_sh, x0_v, x1_v, out_v, wsem, xsem):
    sid = lax.axis_index("s")
    wid = sid * _NC + lax.axis_index("c")
    base = wid * _QPW

    c0 = pltpu.make_async_copy(
        buf_hbm.at[pl.ds(_N * _N // 2 + base, _QPW)], x0_v, xsem)
    c1 = pltpu.make_async_copy(
        buf_hbm.at[pl.ds(_N * _N // 2 + _Q + base, _QPW)], x1_v, xsem)
    c0.start()
    c1.start()

    @pl.when(sid == 0)
    def _():
        pltpu.sync_copy(buf_hbm.at[pl.ds(0, _N * _N // 2)], w_sh)

    plsc.subcore_barrier()
    cw = pltpu.make_async_copy(w_sh, w_v, wsem)
    cw.start()
    c0.wait()
    c1.wait()
    cw.wait()

    def body(i, _):
        off = i * _L
        fx = (plsc.bitcast(x0_v[pl.ds(off, _L)], jnp.float32) + 1.0) * _INV_H
        fy = (plsc.bitcast(x1_v[pl.ds(off, _L)], jnp.float32) + 1.0) * _INV_H
        ix = jnp.minimum(fx.astype(jnp.int32), _N - 2)
        iy = jnp.minimum(fy.astype(jnp.int32), _N - 2)
        u = fx - ix.astype(jnp.float32)
        v = fy - iy.astype(jnp.float32)

        zero = jnp.zeros((_L,), jnp.float32)
        cx = (jnp.where(ix >= 1, _f2(1.0 + u), zero),
              _f1(u),
              _f1(1.0 - u),
              jnp.where(ix <= _N - 3, _f2(2.0 - u), zero))
        cy = (jnp.where(iy >= 1, _f2(1.0 + v), zero),
              _f1(v),
              _f1(1.0 - v),
              jnp.where(iy <= _N - 3, _f2(2.0 - v), zero))

        cols = (jnp.maximum(ix - 1, 0), ix, ix + 1,
                jnp.minimum(ix + 2, _N - 1))
        rows = (jnp.maximum(iy - 1, 0), iy, iy + 1,
                jnp.minimum(iy + 2, _N - 1))

        acc = zero
        for j in range(4):
            wrow = (rows[j] & (_HALF_ROWS - 1)) * _N
            hij = rows[j] >= _HALF_ROWS
            s = zero
            for k in range(4):
                g = plsc.load_gather(w_v, [wrow + cols[k]])
                lo = plsc.bitcast(g << 16, jnp.float32)
                hi = plsc.bitcast(g & jnp.int32(-65536), jnp.float32)
                s += jnp.where(hij, hi, lo) * cx[k]
            acc += s * cy[j]
        out_v[pl.ds(off, _L)] = acc
        return 0

    lax.fori_loop(0, _ITERS, body, 0)
    pltpu.sync_copy(out_v, out_hbm.at[pl.ds(base, _QPW)])


def kernel(x, weights):
    xt = x.T
    w32 = lax.bitcast_convert_type(weights.reshape(-1), jnp.int32) + 0x8000
    lo = (w32[: _N * _N // 2] >> 16) & 0xFFFF
    hi = w32[_N * _N // 2 :] & jnp.int32(-65536)
    buf = jnp.concatenate([lo | hi,
                           lax.bitcast_convert_type(xt[0], jnp.int32),
                           lax.bitcast_convert_type(xt[1], jnp.int32)])
    out = _spline_sc(buf)
    return (out, x)

# --- scband reference (transcript-rebuilt; emitter-appended) ---
"""Pipeline reference for scband-spline-network-79731772883636 (READ-ONLY COPY).

The authoritative reference and input builder live on the scoring server;
editing this copy changes nothing except your own understanding.
"""

import jax, jax.numpy as jnp
import numpy as np

N = 256
K = 16
Q = 16384
CHUNK = 512


def get_mgrid(sidelen):
    t = jnp.linspace(-1.0, 1.0, sidelen)
    gx, gy = jnp.meshgrid(t, t, indexing='xy')
    return jnp.stack([gx, gy], axis=-1).reshape(-1, 2)


def cubic_conv(s):
    a = jnp.abs(s)
    f1 = 1.5 * a ** 3 - 2.5 * a ** 2 + 1.0
    f2 = -0.5 * a ** 3 + 2.5 * a ** 2 - 4.0 * a + 2.0
    cond1 = a < 1.0
    cond2 = (a > 1.0) & (a < 2.0)
    return jnp.where(cond1, f1, jnp.where(cond2, f2, jnp.zeros_like(a)))


def knn_indices(x, cp):
    # brute-force argKmin over all control points, chunked over queries to bound memory
    idxs = []
    for i in range(0, x.shape[0], CHUNK):
        xc = x[i:i + CHUNK]
        d = jnp.sum((xc[:, None, :] - cp[None, :, :]) ** 2, axis=-1)
        _, idx = jax.lax.top_k(-d, K)
        idxs.append(idx)
    return jnp.concatenate(idxs, axis=0)


def setup_inputs(seed: int = 0) -> dict:
    key = jax.random.key(seed)
    k1, k2 = jax.random.split(key)
    # query coordinates in [-1, 1]^2 (domain of the spline grid)
    x = jax.random.uniform(k1, (Q, 2), dtype=jnp.float32, minval=-1.0, maxval=1.0)
    # learned spline weights, initialized as 1/9 like the torch module
    weights = jnp.ones((N * N, 1), dtype=jnp.float32) / 9.0
    return {"x": x, "weights": weights}


def reference(x, weights):
    cp = get_mgrid(N)  # [N*N, 2] control points (non-trainable)
    h_x = jnp.abs(cp[0, 0] - cp[1, 0])
    h_y = jnp.abs(cp[0, 1] - cp[N, 1])
    indices = knn_indices(x, cp)          # [Q, K] int32
    neighbors = cp[indices]               # [Q, K, 2] gather
    pairwise = x[:, :, None] - jnp.transpose(neighbors, (0, 2, 1))  # [Q, 2, K]
    input_x = pairwise[:, 0, :] / h_x
    input_y = pairwise[:, 1, :] / h_y
    conv_x = cubic_conv(input_x)
    conv_y = cubic_conv(input_y)
    w = weights[indices][..., 0]          # [Q, K] gather
    output = jnp.sum(w * conv_x * conv_y, axis=1)  # [Q]
    return (output, x)

if __name__ == "__main__":
    import jax
    _d = setup_inputs()
    print(jax.jit(kernel)(*tuple(_d.values())))

</pallas_src>

<mosaic_0001>
#map = affine_map<(d0, d1) -> (0)>
module attributes {stable_mosaic.version = 14 : i64} {
  func.func @_spline_sc(%arg0: i32, %arg1: i32, %arg2: memref<65536xi32, #tpu.memory_space<hbm>>, %arg3: memref<16384xf32, #tpu.memory_space<hbm>>, %arg4: memref<32768xi32, #tpu.memory_space<vmem>>, %arg5: memref<32768xi32, #tpu.memory_space<vmem_shared>>, %arg6: memref<512xi32, #tpu.memory_space<vmem>>, %arg7: memref<512xi32, #tpu.memory_space<vmem>>, %arg8: memref<512xf32, #tpu.memory_space<vmem>>, %arg9: memref<!tpu.dma_semaphore, #tpu.memory_space<semaphore_mem>>, %arg10: memref<!tpu.dma_semaphore, #tpu.memory_space<semaphore_mem>>) attributes {dimension_semantics = [#tpu.dimension_semantics<core_parallel>, #tpu.dimension_semantics<subcore_parallel>], iteration_bounds = array<i64: 2, 16>, scalar_prefetch = 0 : i64, scratch_operands = 7 : i64, tpu.core_type = #tpu.core_type<sc_vector_subcore>, window_params = [{transform_indices = #map}, {transform_indices = #map}]} {
    %mul3A = arith.constant 2 : i32
    %mul3A_0 = arith.muli %arg1, %mul3A : i32
    %add3A = arith.addi %mul3A_0, %arg0 : i32
    %mul3A_1 = arith.constant 512 : i32
    %mul3A_2 = arith.muli %add3A, %mul3A_1 : i32
    %add3A_3 = arith.constant 32768 : i32
    %add3A_4 = arith.addi %add3A_3, %mul3A_2 : i32
    %add3A_5 = arith.constant 49152 : i32
    %add3A_6 = arith.addi %add3A_5, %mul3A_2 : i32
    %dma_start3A = tpu.memref_slice %arg2[%add3A_4] : memref<65536xi32, #tpu.memory_space<hbm>> -> memref<512xi32, #tpu.memory_space<hbm>>
    %dma_start3A_7 = tpu.memref_slice %arg2[%add3A_4] : memref<65536xi32, #tpu.memory_space<hbm>> -> memref<512xi32, #tpu.memory_space<hbm>>
    tpu.enqueue_dma source(%dma_start3A_7 : memref<512xi32, #tpu.memory_space<hbm>>) target(%arg6 : memref<512xi32, #tpu.memory_space<vmem>>) target_semaphore(%arg10 : memref<!tpu.dma_semaphore, #tpu.memory_space<semaphore_mem>>)
    %dma_start3A_8 = tpu.memref_slice %arg2[%add3A_6] : memref<65536xi32, #tpu.memory_space<hbm>> -> memref<512xi32, #tpu.memory_space<hbm>>
    %dma_start3A_9 = tpu.memref_slice %arg2[%add3A_6] : memref<65536xi32, #tpu.memory_space<hbm>> -> memref<512xi32, #tpu.memory_space<hbm>>
    tpu.enqueue_dma source(%dma_start3A_9 : memref<512xi32, #tpu.memory_space<hbm>>) target(%arg7 : memref<512xi32, #tpu.memory_space<vmem>>) target_semaphore(%arg10 : memref<!tpu.dma_semaphore, #tpu.memory_space<semaphore_mem>>)
    %eq3A = arith.constant 0 : i32
    %eq3A_10 = arith.cmpi eq, %arg1, %eq3A : i32
    %convert_element_type3A = arith.extui %eq3A_10 : i1 to i32
    %cond3A = arith.constant 0 : i32
    %cond3A_11 = arith.cmpi ne, %convert_element_type3A, %cond3A : i32
    scf.if %cond3A_11 {
      "tpu.region"() ({
        %run_scoped3A = tpu.sem_alloc : memref<!tpu.dma_semaphore, #tpu.memory_space<semaphore_mem>>
        %dma_start3A_21 = arith.constant 0 : i32
        %dma_start3A_22 = tpu.memref_slice %arg2[%dma_start3A_21] : memref<65536xi32, #tpu.memory_space<hbm>> -> memref<32768xi32, #tpu.memory_space<hbm>>
        tpu.enqueue_dma source(%dma_start3A_22 : memref<32768xi32, #tpu.memory_space<hbm>>) target(%arg5 : memref<32768xi32, #tpu.memory_space<vmem_shared>>) target_semaphore(%run_scoped3A : memref<!tpu.dma_semaphore, #tpu.memory_space<semaphore_mem>>)
        %dma_wait3A_23 = arith.constant 0 : i32
        %dma_wait3A_24 = tpu.memref_slice %arg2[%dma_wait3A_23] : memref<65536xi32, #tpu.memory_space<hbm>> -> memref<32768xi32, #tpu.memory_space<hbm>>
        tpu.wait_dma2 semaphore(%run_scoped3A : memref<!tpu.dma_semaphore, #tpu.memory_space<semaphore_mem>>) src(%dma_wait3A_24 : memref<32768xi32, #tpu.memory_space<hbm>>) dst(%arg5 : memref<32768xi32, #tpu.memory_space<vmem_shared>>)
        tpu.yield
      }) : () -> ()
    } else {
    }
    %barrier3A = arith.constant 0 : index
    tpu.barrier barrier_id(%barrier3A)
    tpu.enqueue_dma source(%arg5 : memref<32768xi32, #tpu.memory_space<vmem_shared>>) target(%arg4 : memref<32768xi32, #tpu.memory_space<vmem>>) target_semaphore(%arg9 : memref<!tpu.dma_semaphore, #tpu.memory_space<semaphore_mem>>)
    %dma_wait3A = tpu.memref_slice %arg2[%add3A_4] : memref<65536xi32, #tpu.memory_space<hbm>> -> memref<512xi32, #tpu.memory_space<hbm>>
    %dma_wait3A_12 = tpu.memref_slice %arg2[%add3A_4] : memref<65536xi32, #tpu.memory_space<hbm>> -> memref<512xi32, #tpu.memory_space<hbm>>
    tpu.wait_dma2 semaphore(%arg10 : memref<!tpu.dma_semaphore, #tpu.memory_space<semaphore_mem>>) src(%dma_wait3A_12 : memref<512xi32, #tpu.memory_space<hbm>>) dst(%arg6 : memref<512xi32, #tpu.memory_space<vmem>>)
    %dma_wait3A_13 = tpu.memref_slice %arg2[%add3A_6] : memref<65536xi32, #tpu.memory_space<hbm>> -> memref<512xi32, #tpu.memory_space<hbm>>
    %dma_wait3A_14 = tpu.memref_slice %arg2[%add3A_6] : memref<65536xi32, #tpu.memory_space<hbm>> -> memref<512xi32, #tpu.memory_space<hbm>>
    tpu.wait_dma2 semaphore(%arg10 : memref<!tpu.dma_semaphore, #tpu.memory_space<semaphore_mem>>) src(%dma_wait3A_14 : memref<512xi32, #tpu.memory_space<hbm>>) dst(%arg7 : memref<512xi32, #tpu.memory_space<vmem>>)
    tpu.wait_dma2 semaphore(%arg9 : memref<!tpu.dma_semaphore, #tpu.memory_space<semaphore_mem>>) src(%arg5 : memref<32768xi32, #tpu.memory_space<vmem_shared>>) dst(%arg4 : memref<32768xi32, #tpu.memory_space<vmem>>)
    %scan3A = arith.constant 0 : i32
    %scan3A_15 = arith.constant 0 : i32
    %scan3A_16 = arith.constant 32 : i32
    %scan3A_17 = arith.addi %scan3A_15, %scan3A_16 : i32
    %scan3A_18 = arith.constant 1 : i32
    %scan3A_19 = scf.for %scan3A_21 = %scan3A_15 to %scan3A_17 step %scan3A_18 iter_args(%scan3A_22 = %scan3A) -> (i32)  : i32 {
      %mul3A_23 = arith.constant 16 : i32
      %mul3A_24 = arith.muli %scan3A_21, %mul3A_23 : i32
      %get3A = arith.index_cast %mul3A_24 : i32 to index
      %get3A_25 = tpu.vector_load %arg6[%get3A] {strides = array<i32>} : memref<512xi32, #tpu.memory_space<vmem>>, vector<16xi32>,
      %bitcast3A = vector.bitcast %get3A_25 : vector<16xi32> to vector<16xf32>
      %add3A_26 = arith.constant 1.000000e+00 : f32
      %add3A_27 = vector.broadcast %add3A_26 : f32 to vector<16xf32>
      %add3A_28 = arith.addf %bitcast3A, %add3A_27 : vector<16xf32>
      %mul3A_29 = arith.constant 1.275000e+02 : f32
      %mul3A_30 = vector.broadcast %mul3A_29 : f32 to vector<16xf32>
      %mul3A_31 = arith.mulf %add3A_28, %mul3A_30 : vector<16xf32>
      %get3A_32 = arith.index_cast %mul3A_24 : i32 to index
      %get3A_33 = tpu.vector_load %arg7[%get3A_32] {strides = array<i32>} : memref<512xi32, #tpu.memory_space<vmem>>, vector<16xi32>,
      %bitcast3A_34 = vector.bitcast %get3A_33 : vector<16xi32> to vector<16xf32>
      %add3A_35 = arith.constant 1.000000e+00 : f32
      %add3A_36 = vector.broadcast %add3A_35 : f32 to vector<16xf32>
      %add3A_37 = arith.addf %bitcast3A_34, %add3A_36 : vector<16xf32>
      %mul3A_38 = arith.constant 1.275000e+02 : f32
      %mul3A_39 = vector.broadcast %mul3A_38 : f32 to vector<16xf32>
      %mul3A_40 = arith.mulf %add3A_37, %mul3A_39 : vector<16xf32>
      %convert_element_type3A_41 = arith.fptosi %mul3A_31 : vector<16xf32> to vector<16xi32>
      %min3A = arith.constant 254 : i32
      %min3A_42 = vector.broadcast %min3A : i32 to vector<16xi32>
      %min3A_43 = arith.minsi %convert_element_type3A_41, %min3A_42 : vector<16xi32>
      %convert_element_type3A_44 = arith.fptosi %mul3A_40 : vector<16xf32> to vector<16xi32>
      %min3A_45 = arith.constant 254 : i32
      %min3A_46 = vector.broadcast %min3A_45 : i32 to vector<16xi32>
      %min3A_47 = arith.minsi %convert_element_type3A_44, %min3A_46 : vector<16xi32>
      %convert_element_type3A_48 = arith.sitofp %min3A_43 : vector<16xi32> to vector<16xf32>
      %sub3A = arith.subf %mul3A_31, %convert_element_type3A_48 : vector<16xf32>
      %convert_element_type3A_49 = arith.sitofp %min3A_47 : vector<16xi32> to vector<16xf32>
      %sub3A_50 = arith.subf %mul3A_40, %convert_element_type3A_49 : vector<16xf32>
      %broadcast_in_dim3A = arith.constant 0.000000e+00 : f32
      %broadcast_in_dim3A_51 = vector.broadcast %broadcast_in_dim3A : f32 to vector<16xf32>
      %ge3A = arith.constant 1 : i32
      %ge3A_52 = vector.broadcast %ge3A : i32 to vector<16xi32>
      %ge3A_53 = arith.cmpi sge, %min3A_43, %ge3A_52 : vector<16xi32>
      %add3A_54 = arith.constant 1.000000e+00 : f32
      %add3A_55 = vector.broadcast %add3A_54 : f32 to vector<16xf32>
      %add3A_56 = arith.addf %add3A_55, %sub3A : vector<16xf32>
      %mul3A_57 = arith.constant -5.000000e-01 : f32
      %mul3A_58 = vector.broadcast %mul3A_57 : f32 to vector<16xf32>
      %mul3A_59 = arith.mulf %mul3A_58, %add3A_56 : vector<16xf32>
      %add3A_60 = arith.constant 2.500000e+00 : f32
      %add3A_61 = vector.broadcast %add3A_60 : f32 to vector<16xf32>
      %add3A_62 = arith.addf %mul3A_59, %add3A_61 : vector<16xf32>
      %mul3A_63 = arith.mulf %add3A_62, %add3A_56 : vector<16xf32>
      %sub3A_64 = arith.constant 4.000000e+00 : f32
      %sub3A_65 = vector.broadcast %sub3A_64 : f32 to vector<16xf32>
      %sub3A_66 = arith.subf %mul3A_63, %sub3A_65 : vector<16xf32>
      %mul3A_67 = arith.mulf %sub3A_66, %add3A_56 : vector<16xf32>
      %add3A_68 = arith.constant 2.000000e+00 : f32
      %add3A_69 = vector.broadcast %add3A_68 : f32 to vector<16xf32>
      %add3A_70 = arith.addf %mul3A_67, %add3A_69 : vector<16xf32>
      %select_n3A = arith.select %ge3A_53, %add3A_70, %broadcast_in_dim3A_51 : vector<16xi1>, vector<16xf32>
      %mul3A_71 = arith.constant 1.500000e+00 : f32
      %mul3A_72 = vector.broadcast %mul3A_71 : f32 to vector<16xf32>
      %mul3A_73 = arith.mulf %mul3A_72, %sub3A : vector<16xf32>
      %sub3A_74 = arith.constant 2.500000e+00 : f32
      %sub3A_75 = vector.broadcast %sub3A_74 : f32 to vector<16xf32>
      %sub3A_76 = arith.subf %mul3A_73, %sub3A_75 : vector<16xf32>
      %mul3A_77 = arith.mulf %sub3A_76, %sub3A : vector<16xf32>
      %mul3A_78 = arith.mulf %mul3A_77, %sub3A : vector<16xf32>
      %add3A_79 = arith.constant 1.000000e+00 : f32
      %add3A_80 = vector.broadcast %add3A_79 : f32 to vector<16xf32>
      %add3A_81 = arith.addf %mul3A_78, %add3A_80 : vector<16xf32>
      %sub3A_82 = arith.constant 1.000000e+00 : f32
      %sub3A_83 = vector.broadcast %sub3A_82 : f32 to vector<16xf32>
      %sub3A_84 = arith.subf %sub3A_83, %sub3A : vector<16xf32>
      %mul3A_85 = arith.constant 1.500000e+00 : f32
      %mul3A_86 = vector.broadcast %mul3A_85 : f32 to vector<16xf32>
      %mul3A_87 = arith.mulf %mul3A_86, %sub3A_84 : vector<16xf32>
      %sub3A_88 = arith.constant 2.500000e+00 : f32
      %sub3A_89 = vector.broadcast %sub3A_88 : f32 to vector<16xf32>
      %sub3A_90 = arith.subf %mul3A_87, %sub3A_89 : vector<16xf32>
      %mul3A_91 = arith.mulf %sub3A_90, %sub3A_84 : vector<16xf32>
      %mul3A_92 = arith.mulf %mul3A_91, %sub3A_84 : vector<16xf32>
      %add3A_93 = arith.constant 1.000000e+00 : f32
      %add3A_94 = vector.broadcast %add3A_93 : f32 to vector<16xf32>
      %add3A_95 = arith.addf %mul3A_92, %add3A_94 : vector<16xf32>
      %le3A = arith.constant 253 : i32
      %le3A_96 = vector.broadcast %le3A : i32 to vector<16xi32>
      %le3A_97 = arith.cmpi sle, %min3A_43, %le3A_96 : vector<16xi32>
      %sub3A_98 = arith.constant 2.000000e+00 : f32
      %sub3A_99 = vector.broadcast %sub3A_98 : f32 to vector<16xf32>
      %sub3A_100 = arith.subf %sub3A_99, %sub3A : vector<16xf32>
      %mul3A_101 = arith.constant -5.000000e-01 : f32
      %mul3A_102 = vector.broadcast %mul3A_101 : f32 to vector<16xf32>
      %mul3A_103 = arith.mulf %mul3A_102, %sub3A_100 : vector<16xf32>
      %add3A_104 = arith.constant 2.500000e+00 : f32
      %add3A_105 = vector.broadcast %add3A_104 : f32 to vector<16xf32>
      %add3A_106 = arith.addf %mul3A_103, %add3A_105 : vector<16xf32>
      %mul3A_107 = arith.mulf %add3A_106, %sub3A_100 : vector<16xf32>
      %sub3A_108 = arith.constant 4.000000e+00 : f32
      %sub3A_109 = vector.broadcast %sub3A_108 : f32 to vector<16xf32>
      %sub3A_110 = arith.subf %mul3A_107, %sub3A_109 : vector<16xf32>
      %mul3A_111 = arith.mulf %sub3A_110, %sub3A_100 : vector<16xf32>
      %add3A_112 = arith.constant 2.000000e+00 : f32
      %add3A_113 = vector.broadcast %add3A_112 : f32 to vector<16xf32>
      %add3A_114 = arith.addf %mul3A_111, %add3A_113 : vector<16xf32>
      %select_n3A_115 = arith.select %le3A_97, %add3A_114, %broadcast_in_dim3A_51 : vector<16xi1>, vector<16xf32>
      %ge3A_116 = arith.constant 1 : i32
      %ge3A_117 = vector.broadcast %ge3A_116 : i32 to vector<16xi32>
      %ge3A_118 = arith.cmpi sge, %min3A_47, %ge3A_117 : vector<16xi32>
      %add3A_119 = arith.constant 1.000000e+00 : f32
      %add3A_120 = vector.broadcast %add3A_119 : f32 to vector<16xf32>
      %add3A_121 = arith.addf %add3A_120, %sub3A_50 : vector<16xf32>
      %mul3A_122 = arith.constant -5.000000e-01 : f32
      %mul3A_123 = vector.broadcast %mul3A_122 : f32 to vector<16xf32>
      %mul3A_124 = arith.mulf %mul3A_123, %add3A_121 : vector<16xf32>
      %add3A_125 = arith.constant 2.500000e+00 : f32
      %add3A_126 = vector.broadcast %add3A_125 : f32 to vector<16xf32>
      %add3A_127 = arith.addf %mul3A_124, %add3A_126 : vector<16xf32>
      %mul3A_128 = arith.mulf %add3A_127, %add3A_121 : vector<16xf32>
      %sub3A_129 = arith.constant 4.000000e+00 : f32
      %sub3A_130 = vector.broadcast %sub3A_129 : f32 to vector<16xf32>
      %sub3A_131 = arith.subf %mul3A_128, %sub3A_130 : vector<16xf32>
      %mul3A_132 = arith.mulf %sub3A_131, %add3A_121 : vector<16xf32>
      %add3A_133 = arith.constant 2.000000e+00 : f32
      %add3A_134 = vector.broadcast %add3A_133 : f32 to vector<16xf32>
      %add3A_135 = arith.addf %mul3A_132, %add3A_134 : vector<16xf32>
      %select_n3A_136 = arith.select %ge3A_118, %add3A_135, %broadcast_in_dim3A_51 : vector<16xi1>, vector<16xf32>
      %mul3A_137 = arith.constant 1.500000e+00 : f32
      %mul3A_138 = vector.broadcast %mul3A_137 : f32 to vector<16xf32>
      %mul3A_139 = arith.mulf %mul3A_138, %sub3A_50 : vector<16xf32>
      %sub3A_140 = arith.constant 2.500000e+00 : f32
      %sub3A_141 = vector.broadcast %sub3A_140 : f32 to vector<16xf32>
      %sub3A_142 = arith.subf %mul3A_139, %sub3A_141 : vector<16xf32>
      %mul3A_143 = arith.mulf %sub3A_142, %sub3A_50 : vector<16xf32>
      %mul3A_144 = arith.mulf %mul3A_143, %sub3A_50 : vector<16xf32>
      %add3A_145 = arith.constant 1.000000e+00 : f32
      %add3A_146 = vector.broadcast %add3A_145 : f32 to vector<16xf32>
      %add3A_147 = arith.addf %mul3A_144, %add3A_146 : vector<16xf32>
      %sub3A_148 = arith.constant 1.000000e+00 : f32
      %sub3A_149 = vector.broadcast %sub3A_148 : f32 to vector<16xf32>
      %sub3A_150 = arith.subf %sub3A_149, %sub3A_50 : vector<16xf32>
      %mul3A_151 = arith.constant 1.500000e+00 : f32
      %mul3A_152 = vector.broadcast %mul3A_151 : f32 to vector<16xf32>
      %mul3A_153 = arith.mulf %mul3A_152, %sub3A_150 : vector<16xf32>
      %sub3A_154 = arith.constant 2.500000e+00 : f32
      %sub3A_155 = vector.broadcast %sub3A_154 : f32 to vector<16xf32>
      %sub3A_156 = arith.subf %mul3A_153, %sub3A_155 : vector<16xf32>
      %mul3A_157 = arith.mulf %sub3A_156, %sub3A_150 : vector<16xf32>
      %mul3A_158 = arith.mulf %mul3A_157, %sub3A_150 : vector<16xf32>
      %add3A_159 = arith.constant 1.000000e+00 : f32
      %add3A_160 = vector.broadcast %add3A_159 : f32 to vector<16xf32>
      %add3A_161 = arith.addf %mul3A_158, %add3A_160 : vector<16xf32>
      %le3A_162 = arith.constant 253 : i32
      %le3A_163 = vector.broadcast %le3A_162 : i32 to vector<16xi32>
      %le3A_164 = arith.cmpi sle, %min3A_47, %le3A_163 : vector<16xi32>
      %sub3A_165 = arith.constant 2.000000e+00 : f32
      %sub3A_166 = vector.broadcast %sub3A_165 : f32 to vector<16xf32>
      %sub3A_167 = arith.subf %sub3A_166, %sub3A_50 : vector<16xf32>
      %mul3A_168 = arith.constant -5.000000e-01 : f32
      %mul3A_169 = vector.broadcast %mul3A_168 : f32 to vector<16xf32>
      %mul3A_170 = arith.mulf %mul3A_169, %sub3A_167 : vector<16xf32>
      %add3A_171 = arith.constant 2.500000e+00 : f32
      %add3A_172 = vector.broadcast %add3A_171 : f32 to vector<16xf32>
      %add3A_173 = arith.addf %mul3A_170, %add3A_172 : vector<16xf32>
      %mul3A_174 = arith.mulf %add3A_173, %sub3A_167 : vector<16xf32>
      %sub3A_175 = arith.constant 4.000000e+00 : f32
      %sub3A_176 = vector.broadcast %sub3A_175 : f32 to vector<16xf32>
      %sub3A_177 = arith.subf %mul3A_174, %sub3A_176 : vector<16xf32>
      %mul3A_178 = arith.mulf %sub3A_177, %sub3A_167 : vector<16xf32>
      %add3A_179 = arith.constant 2.000000e+00 : f32
      %add3A_180 = vector.broadcast %add3A_179 : f32 to vector<16xf32>
      %add3A_181 = arith.addf %mul3A_178, %add3A_180 : vector<16xf32>
      %select_n3A_182 = arith.select %le3A_164, %add3A_181, %broadcast_in_dim3A_51 : vector<16xi1>, vector<16xf32>
      %sub3A_183 = arith.constant 1 : i32
      %sub3A_184 = vector.broadcast %sub3A_183 : i32 to vector<16xi32>
      %sub3A_185 = arith.subi %min3A_43, %sub3A_184 : vector<16xi32>
      %max3A = arith.constant 0 : i32
      %max3A_186 = vector.broadcast %max3A : i32 to vector<16xi32>
      %max3A_187 = arith.maxsi %sub3A_185, %max3A_186 : vector<16xi32>
      %add3A_188 = arith.constant 1 : i32
      %add3A_189 = vector.broadcast %add3A_188 : i32 to vector<16xi32>
      %add3A_190 = arith.addi %min3A_43, %add3A_189 : vector<16xi32>
      %add3A_191 = arith.constant 2 : i32
      %add3A_192 = vector.broadcast %add3A_191 : i32 to vector<16xi32>
      %add3A_193 = arith.addi %min3A_43, %add3A_192 : vector<16xi32>
      %min3A_194 = arith.constant 255 : i32
      %min3A_195 = vector.broadcast %min3A_194 : i32 to vector<16xi32>
      %min3A_196 = arith.minsi %add3A_193, %min3A_195 : vector<16xi32>
      %sub3A_197 = arith.constant 1 : i32
      %sub3A_198 = vector.broadcast %sub3A_197 : i32 to vector<16xi32>
      %sub3A_199 = arith.subi %min3A_47, %sub3A_198 : vector<16xi32>
      %max3A_200 = arith.constant 0 : i32
      %max3A_201 = vector.broadcast %max3A_200 : i32 to vector<16xi32>
      %max3A_202 = arith.maxsi %sub3A_199, %max3A_201 : vector<16xi32>
      %add3A_203 = arith.constant 1 : i32
      %add3A_204 = vector.broadcast %add3A_203 : i32 to vector<16xi32>
      %add3A_205 = arith.addi %min3A_47, %add3A_204 : vector<16xi32>
      %add3A_206 = arith.constant 2 : i32
      %add3A_207 = vector.broadcast %add3A_206 : i32 to vector<16xi32>
      %add3A_208 = arith.addi %min3A_47, %add3A_207 : vector<16xi32>
      %min3A_209 = arith.constant 255 : i32
      %min3A_210 = vector.broadcast %min3A_209 : i32 to vector<16xi32>
      %min3A_211 = arith.minsi %add3A_208, %min3A_210 : vector<16xi32>
      %and3A = arith.constant 127 : i32
      %and3A_212 = vector.broadcast %and3A : i32 to vector<16xi32>
      %and3A_213 = arith.andi %max3A_202, %and3A_212 : vector<16xi32>
      %mul3A_214 = arith.constant 256 : i32
      %mul3A_215 = vector.broadcast %mul3A_214 : i32 to vector<16xi32>
      %mul3A_216 = arith.muli %and3A_213, %mul3A_215 : vector<16xi32>
      %ge3A_217 = arith.constant 128 : i32
      %ge3A_218 = vector.broadcast %ge3A_217 : i32 to vector<16xi32>
      %ge3A_219 = arith.cmpi sge, %max3A_202, %ge3A_218 : vector<16xi32>
      %add3A_220 = arith.addi %mul3A_216, %max3A_187 : vector<16xi32>
      %gather3A = tpu.vector_load_idx %arg4[%add3A_220] : memref<32768xi32, #tpu.memory_space<vmem>>[vector<16xi32>], vector<16xi32>,
      %shift_left3A = arith.constant 16 : i32
      %shift_left3A_221 = vector.broadcast %shift_left3A : i32 to vector<16xi32>
      %shift_left3A_222 = arith.shli %gather3A, %shift_left3A_221 : vector<16xi32>
      %bitcast3A_223 = vector.bitcast %shift_left3A_222 : vector<16xi32> to vector<16xf32>
      %and3A_224 = arith.constant -65536 : i32
      %and3A_225 = vector.broadcast %and3A_224 : i32 to vector<16xi32>
      %and3A_226 = arith.andi %gather3A, %and3A_225 : vector<16xi32>
      %bitcast3A_227 = vector.bitcast %and3A_226 : vector<16xi32> to vector<16xf32>
      %select_n3A_228 = arith.select %ge3A_219, %bitcast3A_227, %bitcast3A_223 : vector<16xi1>, vector<16xf32>
      %mul3A_229 = arith.mulf %select_n3A_228, %select_n3A : vector<16xf32>
      %add3A_230 = arith.addf %broadcast_in_dim3A_51, %mul3A_229 : vector<16xf32>
      %add3A_231 = arith.addi %mul3A_216, %min3A_43 : vector<16xi32>
      %gather3A_232 = tpu.vector_load_idx %arg4[%add3A_231] : memref<32768xi32, #tpu.memory_space<vmem>>[vector<16xi32>], vector<16xi32>,
      %shift_left3A_233 = arith.constant 16 : i32
      %shift_left3A_234 = vector.broadcast %shift_left3A_233 : i32 to vector<16xi32>
      %shift_left3A_235 = arith.shli %gather3A_232, %shift_left3A_234 : vector<16xi32>
      %bitcast3A_236 = vector.bitcast %shift_left3A_235 : vector<16xi32> to vector<16xf32>
      %and3A_237 = arith.constant -65536 : i32
      %and3A_238 = vector.broadcast %and3A_237 : i32 to vector<16xi32>
      %and3A_239 = arith.andi %gather3A_232, %and3A_238 : vector<16xi32>
      %bitcast3A_240 = vector.bitcast %and3A_239 : vector<16xi32> to vector<16xf32>
      %select_n3A_241 = arith.select %ge3A_219, %bitcast3A_240, %bitcast3A_236 : vector<16xi1>, vector<16xf32>
      %mul3A_242 = arith.mulf %select_n3A_241, %add3A_81 : vector<16xf32>
      %add3A_243 = arith.addf %add3A_230, %mul3A_242 : vector<16xf32>
      %add3A_244 = arith.addi %mul3A_216, %add3A_190 : vector<16xi32>
      %gather3A_245 = tpu.vector_load_idx %arg4[%add3A_244] : memref<32768xi32, #tpu.memory_space<vmem>>[vector<16xi32>], vector<16xi32>,
      %shift_left3A_246 = arith.constant 16 : i32
      %shift_left3A_247 = vector.broadcast %shift_left3A_246 : i32 to vector<16xi32>
      %shift_left3A_248 = arith.shli %gather3A_245, %shift_left3A_247 : vector<16xi32>
      %bitcast3A_249 = vector.bitcast %shift_left3A_248 : vector<16xi32> to vector<16xf32>
      %and3A_250 = arith.constant -65536 : i32
      %and3A_251 = vector.broadcast %and3A_250 : i32 to vector<16xi32>
      %and3A_252 = arith.andi %gather3A_245, %and3A_251 : vector<16xi32>
      %bitcast3A_253 = vector.bitcast %and3A_252 : vector<16xi32> to vector<16xf32>
      %select_n3A_254 = arith.select %ge3A_219, %bitcast3A_253, %bitcast3A_249 : vector<16xi1>, vector<16xf32>
      %mul3A_255 = arith.mulf %select_n3A_254, %add3A_95 : vector<16xf32>
      %add3A_256 = arith.addf %add3A_243, %mul3A_255 : vector<16xf32>
      %add3A_257 = arith.addi %mul3A_216, %min3A_196 : vector<16xi32>
      %gather3A_258 = tpu.vector_load_idx %arg4[%add3A_257] : memref<32768xi32, #tpu.memory_space<vmem>>[vector<16xi32>], vector<16xi32>,
      %shift_left3A_259 = arith.constant 16 : i32
      %shift_left3A_260 = vector.broadcast %shift_left3A_259 : i32 to vector<16xi32>
      %shift_left3A_261 = arith.shli %gather3A_258, %shift_left3A_260 : vector<16xi32>
      %bitcast3A_262 = vector.bitcast %shift_left3A_261 : vector<16xi32> to vector<16xf32>
      %and3A_263 = arith.constant -65536 : i32
      %and3A_264 = vector.broadcast %and3A_263 : i32 to vector<16xi32>
      %and3A_265 = arith.andi %gather3A_258, %and3A_264 : vector<16xi32>
      %bitcast3A_266 = vector.bitcast %and3A_265 : vector<16xi32> to vector<16xf32>
      %select_n3A_267 = arith.select %ge3A_219, %bitcast3A_266, %bitcast3A_262 : vector<16xi1>, vector<16xf32>
      %mul3A_268 = arith.mulf %select_n3A_267, %select_n3A_115 : vector<16xf32>
      %add3A_269 = arith.addf %add3A_256, %mul3A_268 : vector<16xf32>
      %mul3A_270 = arith.mulf %add3A_269, %select_n3A_136 : vector<16xf32>
      %add3A_271 = arith.addf %broadcast_in_dim3A_51, %mul3A_270 : vector<16xf32>
      %and3A_272 = arith.constant 127 : i32
      %and3A_273 = vector.broadcast %and3A_272 : i32 to vector<16xi32>
      %and3A_274 = arith.andi %min3A_47, %and3A_273 : vector<16xi32>
      %mul3A_275 = arith.constant 256 : i32
      %mul3A_276 = vector.broadcast %mul3A_275 : i32 to vector<16xi32>
      %mul3A_277 = arith.muli %and3A_274, %mul3A_276 : vector<16xi32>
      %ge3A_278 = arith.constant 128 : i32
      %ge3A_279 = vector.broadcast %ge3A_278 : i32 to vector<16xi32>
      %ge3A_280 = arith.cmpi sge, %min3A_47, %ge3A_279 : vector<16xi32>
      %add3A_281 = arith.addi %mul3A_277, %max3A_187 : vector<16xi32>
      %gather3A_282 = tpu.vector_load_idx %arg4[%add3A_281] : memref<32768xi32, #tpu.memory_space<vmem>>[vector<16xi32>], vector<16xi32>,
      %shift_left3A_283 = arith.constant 16 : i32
      %shift_left3A_284 = vector.broadcast %shift_left3A_283 : i32 to vector<16xi32>
      %shift_left3A_285 = arith.shli %gather3A_282, %shift_left3A_284 : vector<16xi32>
      %bitcast3A_286 = vector.bitcast %shift_left3A_285 : vector<16xi32> to vector<16xf32>
      %and3A_287 = arith.constant -65536 : i32
      %and3A_288 = vector.broadcast %and3A_287 : i32 to vector<16xi32>
      %and3A_289 = arith.andi %gather3A_282, %and3A_288 : vector<16xi32>
      %bitcast3A_290 = vector.bitcast %and3A_289 : vector<16xi32> to vector<16xf32>
      %select_n3A_291 = arith.select %ge3A_280, %bitcast3A_290, %bitcast3A_286 : vector<16xi1>, vector<16xf32>
      %mul3A_292 = arith.mulf %select_n3A_291, %select_n3A : vector<16xf32>
      %add3A_293 = arith.addf %broadcast_in_dim3A_51, %mul3A_292 : vector<16xf32>
      %add3A_294 = arith.addi %mul3A_277, %min3A_43 : vector<16xi32>
      %gather3A_295 = tpu.vector_load_idx %arg4[%add3A_294] : memref<32768xi32, #tpu.memory_space<vmem>>[vector<16xi32>], vector<16xi32>,
      %shift_left3A_296 = arith.constant 16 : i32
      %shift_left3A_297 = vector.broadcast %shift_left3A_296 : i32 to vector<16xi32>
      %shift_left3A_298 = arith.shli %gather3A_295, %shift_left3A_297 : vector<16xi32>
      %bitcast3A_299 = vector.bitcast %shift_left3A_298 : vector<16xi32> to vector<16xf32>
      %and3A_300 = arith.constant -65536 : i32
      %and3A_301 = vector.broadcast %and3A_300 : i32 to vector<16xi32>
      %and3A_302 = arith.andi %gather3A_295, %and3A_301 : vector<16xi32>
      %bitcast3A_303 = vector.bitcast %and3A_302 : vector<16xi32> to vector<16xf32>
      %select_n3A_304 = arith.select %ge3A_280, %bitcast3A_303, %bitcast3A_299 : vector<16xi1>, vector<16xf32>
      %mul3A_305 = arith.mulf %select_n3A_304, %add3A_81 : vector<16xf32>
      %add3A_306 = arith.addf %add3A_293, %mul3A_305 : vector<16xf32>
      %add3A_307 = arith.addi %mul3A_277, %add3A_190 : vector<16xi32>
      %gather3A_308 = tpu.vector_load_idx %arg4[%add3A_307] : memref<32768xi32, #tpu.memory_space<vmem>>[vector<16xi32>], vector<16xi32>,
      %shift_left3A_309 = arith.constant 16 : i32
      %shift_left3A_310 = vector.broadcast %shift_left3A_309 : i32 to vector<16xi32>
      %shift_left3A_311 = arith.shli %gather3A_308, %shift_left3A_310 : vector<16xi32>
      %bitcast3A_312 = vector.bitcast %shift_left3A_311 : vector<16xi32> to vector<16xf32>
      %and3A_313 = arith.constant -65536 : i32
      %and3A_314 = vector.broadcast %and3A_313 : i32 to vector<16xi32>
      %and3A_315 = arith.andi %gather3A_308, %and3A_314 : vector<16xi32>
      %bitcast3A_316 = vector.bitcast %and3A_315 : vector<16xi32> to vector<16xf32>
      %select_n3A_317 = arith.select %ge3A_280, %bitcast3A_316, %bitcast3A_312 : vector<16xi1>, vector<16xf32>
      %mul3A_318 = arith.mulf %select_n3A_317, %add3A_95 : vector<16xf32>
      %add3A_319 = arith.addf %add3A_306, %mul3A_318 : vector<16xf32>
      %add3A_320 = arith.addi %mul3A_277, %min3A_196 : vector<16xi32>
      %gather3A_321 = tpu.vector_load_idx %arg4[%add3A_320] : memref<32768xi32, #tpu.memory_space<vmem>>[vector<16xi32>], vector<16xi32>,
      %shift_left3A_322 = arith.constant 16 : i32
      %shift_left3A_323 = vector.broadcast %shift_left3A_322 : i32 to vector<16xi32>
      %shift_left3A_324 = arith.shli %gather3A_321, %shift_left3A_323 : vector<16xi32>
      %bitcast3A_325 = vector.bitcast %shift_left3A_324 : vector<16xi32> to vector<16xf32>
      %and3A_326 = arith.constant -65536 : i32
      %and3A_327 = vector.broadcast %and3A_326 : i32 to vector<16xi32>
      %and3A_328 = arith.andi %gather3A_321, %and3A_327 : vector<16xi32>
      %bitcast3A_329 = vector.bitcast %and3A_328 : vector<16xi32> to vector<16xf32>
      %select_n3A_330 = arith.select %ge3A_280, %bitcast3A_329, %bitcast3A_325 : vector<16xi1>, vector<16xf32>
      %mul3A_331 = arith.mulf %select_n3A_330, %select_n3A_115 : vector<16xf32>
      %add3A_332 = arith.addf %add3A_319, %mul3A_331 : vector<16xf32>
      %mul3A_333 = arith.mulf %add3A_332, %add3A_147 : vector<16xf32>
      %add3A_334 = arith.addf %add3A_271, %mul3A_333 : vector<16xf32>
      %and3A_335 = arith.constant 127 : i32
      %and3A_336 = vector.broadcast %and3A_335 : i32 to vector<16xi32>
      %and3A_337 = arith.andi %add3A_205, %and3A_336 : vector<16xi32>
      %mul3A_338 = arith.constant 256 : i32
      %mul3A_339 = vector.broadcast %mul3A_338 : i32 to vector<16xi32>
      %mul3A_340 = arith.muli %and3A_337, %mul3A_339 : vector<16xi32>
      %ge3A_341 = arith.constant 128 : i32
      %ge3A_342 = vector.broadcast %ge3A_341 : i32 to vector<16xi32>
      %ge3A_343 = arith.cmpi sge, %add3A_205, %ge3A_342 : vector<16xi32>
      %add3A_344 = arith.addi %mul3A_340, %max3A_187 : vector<16xi32>
      %gather3A_345 = tpu.vector_load_idx %arg4[%add3A_344] : memref<32768xi32, #tpu.memory_space<vmem>>[vector<16xi32>], vector<16xi32>,
      %shift_left3A_346 = arith.constant 16 : i32
      %shift_left3A_347 = vector.broadcast %shift_left3A_346 : i32 to vector<16xi32>
      %shift_left3A_348 = arith.shli %gather3A_345, %shift_left3A_347 : vector<16xi32>
      %bitcast3A_349 = vector.bitcast %shift_left3A_348 : vector<16xi32> to vector<16xf32>
      %and3A_350 = arith.constant -65536 : i32
      %and3A_351 = vector.broadcast %and3A_350 : i32 to vector<16xi32>
      %and3A_352 = arith.andi %gather3A_345, %and3A_351 : vector<16xi32>
      %bitcast3A_353 = vector.bitcast %and3A_352 : vector<16xi32> to vector<16xf32>
      %select_n3A_354 = arith.select %ge3A_343, %bitcast3A_353, %bitcast3A_349 : vector<16xi1>, vector<16xf32>
      %mul3A_355 = arith.mulf %select_n3A_354, %select_n3A : vector<16xf32>
      %add3A_356 = arith.addf %broadcast_in_dim3A_51, %mul3A_355 : vector<16xf32>
      %add3A_357 = arith.addi %mul3A_340, %min3A_43 : vector<16xi32>
      %gather3A_358 = tpu.vector_load_idx %arg4[%add3A_357] : memref<32768xi32, #tpu.memory_space<vmem>>[vector<16xi32>], vector<16xi32>,
      %shift_left3A_359 = arith.constant 16 : i32
      %shift_left3A_360 = vector.broadcast %shift_left3A_359 : i32 to vector<16xi32>
      %shift_left3A_361 = arith.shli %gather3A_358, %shift_left3A_360 : vector<16xi32>
      %bitcast3A_362 = vector.bitcast %shift_left3A_361 : vector<16xi32> to vector<16xf32>
      %and3A_363 = arith.constant -65536 : i32
      %and3A_364 = vector.broadcast %and3A_363 : i32 to vector<16xi32>
      %and3A_365 = arith.andi %gather3A_358, %and3A_364 : vector<16xi32>
      %bitcast3A_366 = vector.bitcast %and3A_365 : vector<16xi32> to vector<16xf32>
      %select_n3A_367 = arith.select %ge3A_343, %bitcast3A_366, %bitcast3A_362 : vector<16xi1>, vector<16xf32>
      %mul3A_368 = arith.mulf %select_n3A_367, %add3A_81 : vector<16xf32>
      %add3A_369 = arith.addf %add3A_356, %mul3A_368 : vector<16xf32>
      %add3A_370 = arith.addi %mul3A_340, %add3A_190 : vector<16xi32>
      %gather3A_371 = tpu.vector_load_idx %arg4[%add3A_370] : memref<32768xi32, #tpu.memory_space<vmem>>[vector<16xi32>], vector<16xi32>,
      %shift_left3A_372 = arith.constant 16 : i32
      %shift_left3A_373 = vector.broadcast %shift_left3A_372 : i32 to vector<16xi32>
      %shift_left3A_374 = arith.shli %gather3A_371, %shift_left3A_373 : vector<16xi32>
      %bitcast3A_375 = vector.bitcast %shift_left3A_374 : vector<16xi32> to vector<16xf32>
      %and3A_376 = arith.constant -65536 : i32
      %and3A_377 = vector.broadcast %and3A_376 : i32 to vector<16xi32>
      %and3A_378 = arith.andi %gather3A_371, %and3A_377 : vector<16xi32>
      %bitcast3A_379 = vector.bitcast %and3A_378 : vector<16xi32> to vector<16xf32>
      %select_n3A_380 = arith.select %ge3A_343, %bitcast3A_379, %bitcast3A_375 : vector<16xi1>, vector<16xf32>
      %mul3A_381 = arith.mulf %select_n3A_380, %add3A_95 : vector<16xf32>
      %add3A_382 = arith.addf %add3A_369, %mul3A_381 : vector<16xf32>
      %add3A_383 = arith.addi %mul3A_340, %min3A_196 : vector<16xi32>
      %gather3A_384 = tpu.vector_load_idx %arg4[%add3A_383] : memref<32768xi32, #tpu.memory_space<vmem>>[vector<16xi32>], vector<16xi32>,
      %shift_left3A_385 = arith.constant 16 : i32
      %shift_left3A_386 = vector.broadcast %shift_left3A_385 : i32 to vector<16xi32>
      %shift_left3A_387 = arith.shli %gather3A_384, %shift_left3A_386 : vector<16xi32>
      %bitcast3A_388 = vector.bitcast %shift_left3A_387 : vector<16xi32> to vector<16xf32>
      %and3A_389 = arith.constant -65536 : i32
      %and3A_390 = vector.broadcast %and3A_389 : i32 to vector<16xi32>
      %and3A_391 = arith.andi %gather3A_384, %and3A_390 : vector<16xi32>
      %bitcast3A_392 = vector.bitcast %and3A_391 : vector<16xi32> to vector<16xf32>
      %select_n3A_393 = arith.select %ge3A_343, %bitcast3A_392, %bitcast3A_388 : vector<16xi1>, vector<16xf32>
      %mul3A_394 = arith.mulf %select_n3A_393, %select_n3A_115 : vector<16xf32>
      %add3A_395 = arith.addf %add3A_382, %mul3A_394 : vector<16xf32>
      %mul3A_396 = arith.mulf %add3A_395, %add3A_161 : vector<16xf32>
      %add3A_397 = arith.addf %add3A_334, %mul3A_396 : vector<16xf32>
      %and3A_398 = arith.constant 127 : i32
      %and3A_399 = vector.broadcast %and3A_398 : i32 to vector<16xi32>
      %and3A_400 = arith.andi %min3A_211, %and3A_399 : vector<16xi32>
      %mul3A_401 = arith.constant 256 : i32
      %mul3A_402 = vector.broadcast %mul3A_401 : i32 to vector<16xi32>
      %mul3A_403 = arith.muli %and3A_400, %mul3A_402 : vector<16xi32>
      %ge3A_404 = arith.constant 128 : i32
      %ge3A_405 = vector.broadcast %ge3A_404 : i32 to vector<16xi32>
      %ge3A_406 = arith.cmpi sge, %min3A_211, %ge3A_405 : vector<16xi32>
      %add3A_407 = arith.addi %mul3A_403, %max3A_187 : vector<16xi32>
      %gather3A_408 = tpu.vector_load_idx %arg4[%add3A_407] : memref<32768xi32, #tpu.memory_space<vmem>>[vector<16xi32>], vector<16xi32>,
      %shift_left3A_409 = arith.constant 16 : i32
      %shift_left3A_410 = vector.broadcast %shift_left3A_409 : i32 to vector<16xi32>
      %shift_left3A_411 = arith.shli %gather3A_408, %shift_left3A_410 : vector<16xi32>
      %bitcast3A_412 = vector.bitcast %shift_left3A_411 : vector<16xi32> to vector<16xf32>
      %and3A_413 = arith.constant -65536 : i32
      %and3A_414 = vector.broadcast %and3A_413 : i32 to vector<16xi32>
      %and3A_415 = arith.andi %gather3A_408, %and3A_414 : vector<16xi32>
      %bitcast3A_416 = vector.bitcast %and3A_415 : vector<16xi32> to vector<16xf32>
      %select_n3A_417 = arith.select %ge3A_406, %bitcast3A_416, %bitcast3A_412 : vector<16xi1>, vector<16xf32>
      %mul3A_418 = arith.mulf %select_n3A_417, %select_n3A : vector<16xf32>
      %add3A_419 = arith.addf %broadcast_in_dim3A_51, %mul3A_418 : vector<16xf32>
      %add3A_420 = arith.addi %mul3A_403, %min3A_43 : vector<16xi32>
      %gather3A_421 = tpu.vector_load_idx %arg4[%add3A_420] : memref<32768xi32, #tpu.memory_space<vmem>>[vector<16xi32>], vector<16xi32>,
      %shift_left3A_422 = arith.constant 16 : i32
      %shift_left3A_423 = vector.broadcast %shift_left3A_422 : i32 to vector<16xi32>
      %shift_left3A_424 = arith.shli %gather3A_421, %shift_left3A_423 : vector<16xi32>
      %bitcast3A_425 = vector.bitcast %shift_left3A_424 : vector<16xi32> to vector<16xf32>
      %and3A_426 = arith.constant -65536 : i32
      %and3A_427 = vector.broadcast %and3A_426 : i32 to vector<16xi32>
      %and3A_428 = arith.andi %gather3A_421, %and3A_427 : vector<16xi32>
      %bitcast3A_429 = vector.bitcast %and3A_428 : vector<16xi32> to vector<16xf32>
      %select_n3A_430 = arith.select %ge3A_406, %bitcast3A_429, %bitcast3A_425 : vector<16xi1>, vector<16xf32>
      %mul3A_431 = arith.mulf %select_n3A_430, %add3A_81 : vector<16xf32>
      %add3A_432 = arith.addf %add3A_419, %mul3A_431 : vector<16xf32>
      %add3A_433 = arith.addi %mul3A_403, %add3A_190 : vector<16xi32>
      %gather3A_434 = tpu.vector_load_idx %arg4[%add3A_433] : memref<32768xi32, #tpu.memory_space<vmem>>[vector<16xi32>], vector<16xi32>,
      %shift_left3A_435 = arith.constant 16 : i32
      %shift_left3A_436 = vector.broadcast %shift_left3A_435 : i32 to vector<16xi32>
      %shift_left3A_437 = arith.shli %gather3A_434, %shift_left3A_436 : vector<16xi32>
      %bitcast3A_438 = vector.bitcast %shift_left3A_437 : vector<16xi32> to vector<16xf32>
      %and3A_439 = arith.constant -65536 : i32
      %and3A_440 = vector.broadcast %and3A_439 : i32 to vector<16xi32>
      %and3A_441 = arith.andi %gather3A_434, %and3A_440 : vector<16xi32>
      %bitcast3A_442 = vector.bitcast %and3A_441 : vector<16xi32> to vector<16xf32>
      %select_n3A_443 = arith.select %ge3A_406, %bitcast3A_442, %bitcast3A_438 : vector<16xi1>, vector<16xf32>
      %mul3A_444 = arith.mulf %select_n3A_443, %add3A_95 : vector<16xf32>
      %add3A_445 = arith.addf %add3A_432, %mul3A_444 : vector<16xf32>
      %add3A_446 = arith.addi %mul3A_403, %min3A_196 : vector<16xi32>
      %gather3A_447 = tpu.vector_load_idx %arg4[%add3A_446] : memref<32768xi32, #tpu.memory_space<vmem>>[vector<16xi32>], vector<16xi32>,
      %shift_left3A_448 = arith.constant 16 : i32
      %shift_left3A_449 = vector.broadcast %shift_left3A_448 : i32 to vector<16xi32>
      %shift_left3A_450 = arith.shli %gather3A_447, %shift_left3A_449 : vector<16xi32>
      %bitcast3A_451 = vector.bitcast %shift_left3A_450 : vector<16xi32> to vector<16xf32>
      %and3A_452 = arith.constant -65536 : i32
      %and3A_453 = vector.broadcast %and3A_452 : i32 to vector<16xi32>
      %and3A_454 = arith.andi %gather3A_447, %and3A_453 : vector<16xi32>
      %bitcast3A_455 = vector.bitcast %and3A_454 : vector<16xi32> to vector<16xf32>
      %select_n3A_456 = arith.select %ge3A_406, %bitcast3A_455, %bitcast3A_451 : vector<16xi1>, vector<16xf32>
      %mul3A_457 = arith.mulf %select_n3A_456, %select_n3A_115 : vector<16xf32>
      %add3A_458 = arith.addf %add3A_445, %mul3A_457 : vector<16xf32>
      %mul3A_459 = arith.mulf %add3A_458, %select_n3A_182 : vector<16xf32>
      %add3A_460 = arith.addf %add3A_397, %mul3A_459 : vector<16xf32>
      %swap3A = arith.index_cast %mul3A_24 : i32 to index
      %swap3A_461 = tpu.vector_load %arg8[%swap3A] {strides = array<i32>} : memref<512xf32, #tpu.memory_space<vmem>>, vector<16xf32>,
      tpu.vector_store %arg8[%swap3A], %add3A_460 {strides = array<i32>} : memref<512xf32, #tpu.memory_space<vmem>>, vector<16xf32>,
      %scan3A_462 = arith.constant 0 : i32
      scf.yield %scan3A_462 : i32
    }
    %scan3A_20 = arith.constant 32 : i32
    "tpu.region"() ({
      %run_scoped3A = tpu.sem_alloc : memref<!tpu.dma_semaphore, #tpu.memory_space<semaphore_mem>>
      %dma_start3A_21 = tpu.memref_slice %arg3[%mul3A_2] : memref<16384xf32, #tpu.memory_space<hbm>> -> memref<512xf32, #tpu.memory_space<hbm>>
      %dma_start3A_22 = tpu.memref_slice %arg3[%mul3A_2] : memref<16384xf32, #tpu.memory_space<hbm>> -> memref<512xf32, #tpu.memory_space<hbm>>
      tpu.enqueue_dma source(%arg8 : memref<512xf32, #tpu.memory_space<vmem>>) target(%dma_start3A_22 : memref<512xf32, #tpu.memory_space<hbm>>) target_semaphore(%run_scoped3A : memref<!tpu.dma_semaphore, #tpu.memory_space<semaphore_mem>>)
      %dma_wait3A_23 = tpu.memref_slice %arg3[%mul3A_2] : memref<16384xf32, #tpu.memory_space<hbm>> -> memref<512xf32, #tpu.memory_space<hbm>>
      %dma_wait3A_24 = tpu.memref_slice %arg3[%mul3A_2] : memref<16384xf32, #tpu.memory_space<hbm>> -> memref<512xf32, #tpu.memory_space<hbm>>
      tpu.wait_dma2 semaphore(%run_scoped3A : memref<!tpu.dma_semaphore, #tpu.memory_space<semaphore_mem>>) src(%arg8 : memref<512xf32, #tpu.memory_space<vmem>>) dst(%dma_wait3A_24 : memref<512xf32, #tpu.memory_space<hbm>>)
      tpu.yield
    }) : () -> ()
    return
  }
}

</mosaic_0001>

<sc_bundles>
// kernel: kernel.3.cloned.1.call-start
scs
__scs_entry_jumppad:
0x0: {  	(pc) =	sbr.rel $0x88, $3  }
0x1: {  	(tag) =	ssettag $0x0;
	lr =	simm.s32 $0x1  }
0x2: {  	[smem:$0x3F9F] =	sst lr;
	_ =	strace $0xD0000000  }
0x3: {  	_ = 	snop  }
0x4: {  	_ = 	snop  }
0x5: {  	_ = 	snop  }
0x6: {  	_ = 	snop  }
0x7: {  	_ = 	snop  }
__scs_overlays_trampoline_lowered:
0x8: {  	[smem:$0x3FAE] =	sst s0  }
0x9: {  	[smem:$0x3FAF] =	sst s1  }
0xa: {  	[smem:$0x3FB0] =	sst s2  }
0xb: {  	[smem:$0x3FB1] =	sst s3  }
0xc: {  	[smem:$0x3FB2] =	sst s4  }
0xd: {  	[smem:$0x3FB3] =	sst s5  }
0xe: {  	[smem:$0x3FB4] =	sst s6  }
0xf: {  	[smem:$0x3FB5] =	sst s7  }
0x10: {  	[smem:$0x3FB6] =	sst s8  }
0x11: {  	[smem:$0x3FB7] =	sst s9;
	s0 =	simm.s32 @!p0 $0x0  }
0x12: {  	s1 =	sld [smem:$0x3F9D];
	s0 =	simm.s32 @p0 $0x1  }
0x13: {  	[smem:$0x3FB8] =	sst s0;
	s0 =	simm.s32 @!p1 $0x0  }
0x14: {  	s2 =	sld [smem:$0x3F9C];
	s0 =	simm.s32 @p1 $0x1  }
0x15: {  	[smem:$0x3FB9] =	sst s0;
	s0 =	simm.s32 @!p2 $0x0  }
0x16: {  	s3 =	sld [smem:$0x3FDB];
	s0 =	simm.s32 @p2 $0x1  }
0x17: {  	s4 =	simm.s32 $0x1BF5;
	[smem:$0x3FBB] =	sst s0  }
0x18: {  	s0 =	sld [smem:$0x3F9E];
	_ =	swait.ge [sflag:s4], $0x0  }
0x19: {  	s7 =	sld [smem:$0x3F9F]  }
0x1a: {  	s8 =	sadd.s32 $0xFFFFE003, lr  }
0x1b: {  	s9 =	sadd.s32 $0xFFFFFEF7, lr;
	s5 =	simm.s32 $0xFFFFFFFF;
	p2 =	slt.u32 s8, $0xFFFFF086  }
0x1c: {  	p1 =	slt.u32 s9, $0xF7A;
	s5 =	simm.s32 @!p2 $0x0  }
0x1d: {  	s5 =	simm.s32 @p1 $0x1;
	p0 =	seq.s32 s7, s2  }
0x1e: {  	s7 =	smul.u32 @!p0 $0xF7A, s2;
	p2 =	seq.s32 @!p0 s5, $0x0  }
0x1f: {  	s9 =	smul.u32 $0xF7A, s1;
	s8 =	simm.s32 @!p0 $0x1BF5;
	p2 =	por !p2, p0  }
0x20: {  	[sflag:s8] =	ssyncset.s32 @!p0 $0xFFFFF086;
	s6 =	sadd.s32 @!p0 s3, s7;
	s7 =	simm.s32 @!p0 $0x108  }
0x21: {  	s3 =	sadd.s32 s3, s9;
	s6 =	sadd.s32 @!p0 $0x88, s6;
	s7 =	simm.s32 @p2 $0x1082  }
0x22: {  	[simem:s7], [sflag:s8] =	dma.local @!p0 [hbm:s6], $0xF7A  }
0x23: {  	s9 =	sor.u32 $0xD0000000, s2;
	s6 =	simm.s32 $0x108;
	_ =	swait.ge @!p0 [sflag:s8], $0x0  }
0x24: {  	s3 =	sadd.s32 $0x88, s3;
	s6 =	simm.s32 @!p1 $0x1082;
	[sflag:s4] =	ssyncset.s32 $0xFFFFF086  }
0x25: {  	[simem:s6], [sflag:s4] =	dma.local [hbm:s3], $0xF7A  }
0x26: {  	[smem:$0x3F9F] =	sst s1;
	(tag) =	ssettag s2;
	_ =	strace s9  }
0x27: {  	s1 =	sld [smem:$0x3FAF]  }
0x28: {  	s2 =	sld [smem:$0x3FB0]  }
0x29: {  	s4 =	sld [smem:$0x3FB2]  }
0x2a: {  	p0 =	seq.s32 s5, $0x0;
	s5 =	sld [smem:$0x3FB3]  }
0x2b: {  	s6 =	sld [smem:$0x3FB4]  }
0x2c: {  	s7 =	sld [smem:$0x3FB5]  }
0x2d: {  	s3 =	simm.s32 $0x108;
	s8 =	sld [smem:$0x3FB6]  }
0x2e: {  	s3 =	simm.s32 @!p0 $0x1082;
	s9 =	sld [smem:$0x3FB7]  }
0x2f: {  	lr =	sadd.s32 s0, s3;
	s0 =	sld [smem:$0x3FAE]  }
0x30: {  	s3 =	sld [smem:$0x3FB1]  }
0x31: {  	[smem:$0x3FBA] =	sst s10  }
0x32: {  	s10 =	sld [smem:$0x3FB8];
	_ =	sdelay $0x3  }
0x33: {  	p0 =	seq.s32 s10, $0x1;
	s10 =	sld [smem:$0x3FBA];
	_ =	sdelay $0x3  }
0x34: {  	[smem:$0x3FBA] =	sst s10  }
0x35: {  	s10 =	sld [smem:$0x3FB9];
	_ =	sdelay $0x3  }
0x36: {  	p1 =	seq.s32 s10, $0x1;
	s10 =	sld [smem:$0x3FBA];
	_ =	sdelay $0x3  }
0x37: {  	[smem:$0x3FBA] =	sst s10  }
0x38: {  	s10 =	sld [smem:$0x3FBB]  }
0x39: {  	_ = 	snop;
	(pc) =	sbr.ind lr, $3  }
0x3a: {  	_ = 	snop  }
0x3b: {  	_ = 	snop  }
0x3c: {  	p2 =	seq.s32 s10, $0x1;
	s10 =	sld [smem:$0x3FBA]  }
0x3d: {  	_ =	shalt  }
0x3e: {  	_ =	shalt  }
0x3f: {  	_ =	shalt  }
0x40: {  	_ =	shalt  }
0x41: {  	_ =	shalt  }
0x42: {  	_ =	shalt  }
0x43: {  	_ =	shalt  }
0x44: {  	_ =	shalt  }
0x45: {  	_ =	shalt  }
0x46: {  	_ =	shalt  }
0x47: {  	_ =	shalt  }
0x48: {  	_ =	shalt  }
0x49: {  	_ =	shalt  }
0x4a: {  	_ =	shalt  }
0x4b: {  	_ =	shalt  }
0x4c: {  	_ =	shalt  }
0x4d: {  	_ =	shalt  }
0x4e: {  	_ =	shalt  }
0x4f: {  	_ =	shalt  }
0x50: {  	_ =	shalt  }
0x51: {  	_ =	shalt  }
0x52: {  	_ =	shalt  }
0x53: {  	_ =	shalt  }
0x54: {  	_ =	shalt  }
0x55: {  	_ =	shalt  }
0x56: {  	_ =	shalt  }
0x57: {  	_ =	shalt  }
0x58: {  	_ =	shalt  }
0x59: {  	_ =	shalt  }
0x5a: {  	_ =	shalt  }
0x5b: {  	_ =	shalt  }
0x5c: {  	_ =	shalt  }
0x5d: {  	_ =	shalt  }
0x5e: {  	_ =	shalt  }
0x5f: {  	_ =	shalt  }
0x60: {  	_ =	shalt  }
0x61: {  	_ =	shalt  }
0x62: {  	_ =	shalt  }
0x63: {  	_ =	shalt  }
0x64: {  	_ =	shalt  }
0x65: {  	_ =	shalt  }
0x66: {  	_ =	shalt  }
0x67: {  	_ =	shalt  }
0x68: {  	_ =	shalt  }
0x69: {  	_ =	shalt  }
0x6a: {  	_ =	shalt  }
0x6b: {  	_ =	shalt  }
0x6c: {  	_ =	shalt  }
0x6d: {  	_ =	shalt  }
0x6e: {  	_ =	shalt  }
0x6f: {  	_ =	shalt  }
0x70: {  	_ =	shalt  }
0x71: {  	_ =	shalt  }
0x72: {  	_ =	shalt  }
0x73: {  	_ =	shalt  }
0x74: {  	_ =	shalt  }
0x75: {  	_ =	shalt  }
0x76: {  	_ =	shalt  }
0x77: {  	_ =	shalt  }
0x78: {  	_ =	shalt  }
0x79: {  	_ =	shalt  }
0x7a: {  	_ =	shalt  }
0x7b: {  	_ =	shalt  }
0x7c: {  	_ =	shalt  }
0x7d: {  	_ =	shalt  }
0x7e: {  	_ =	shalt  }
0x7f: {  	_ =	shalt  }
0x80: {  	_ =	shalt  }
0x81: {  	_ =	shalt  }
0x82: {  	_ =	shalt  }
0x83: {  	_ =	shalt  }
0x84: {  	_ =	shalt  }
0x85: {  	_ =	shalt  }
0x86: {  	_ =	shalt  }
0x87: {  	_ =	shalt  }
.Lfunc_end0:
.L_simem_size_0:
called_computation_lowered:
.L_overlay_start_0:
0x88: {  	s2 =	sld [smem:$0x3FD9]  }
0x89: {  	s3 =	sld [smem:$0x3FFE];
	_ =	sdelay $0x1  }
0x8a: {  	s1 =	srdreg.scid  }
0x8b: {  	s0 =	sand.u32 $0x1, s1  }
0x8c: {  	s14 =	sshll.u32 s0, $0xA;
	s2 =	sadd.s32 s3, s2  }
0x8d: {  	s2 =	sadd.s32 s2, s14  }
0x8e: {  	[smem:$0x3FC6] =	sst s2  }
0x8f: {  	_ = 	snop  }
0x90: {  	s2 =	sld [smem:$0x3FD0];
	_ =	sdelay $0x2  }
0x91: {  	s15 =	simm.s32 $0xA;
	s4 =	simm.s32 $0x10  }
0x92: {  	[smem:s4], [sflag:s15] =	dma.local [hbm:s2], $0x1  }
0x93: {  	_ =	swait.eq [sflag:s15], $0x1  }
0x94: {  	[sflag:s15] =	ssyncset.done $0x0  }
0x95: {  	[sflag:s15] =	ssyncadd.s32 $0xFFFFFFFF  }
0x96: {  	s16 =	sld [smem:$0x10];
	(tm) =	ssettm $0x1  }
0x97: {  	s17 =	sld [smem:$0x3FFB];
	_ =	sdelay $0x3  }
0x98: {  	_ =	strace s17  }
0x99: {  	s3 =	sld [smem:$0x3FFC];
	_ =	sdelay $0x3  }
0x9a: {  	_ =	strace s3  }
0x9b: {  	s3 =	sld [smem:$0x3FFD];
	_ =	sdelay $0x3  }
0x9c: {  	_ =	strace s3  }
0x9d: {  	_ =	strace $0x8FFFFFFF  }
0x9e: {  	s18 =	sld [smem:$0x3FDB];
	_ =	sdelay $0x1  }
0x9f: {  	s19 =	simm.s32 $_scs_section_size  }
0xa0: {  	s5 =	simm.s32 $_size__tile_overlayer_lowered;
	s6 =	simm.s32 $_tile_overlayer_lowered  }
0xa1: {  	s22 =	simm.s32 $0x1BFF;
	s21 =	sshll.u32 s6, $0x1;
	s3 =	sadd.s32 s19, s18  }
0xa2: {  	s7 =	simm.s32 $0x0;
	s20 =	sshll.u32 s5, $0x1;
	s5 =	sadd.s32 s21, s3  }
0xa3: {  	[timem:s7], [sflag:s22] =	dma.local [hbm:s5], s20  }
0xa4: {  	_ =	swait.ge [sflag:s22], s20  }
0xa5: {  	s4 =	ssub.s32 $0x0, s20;
	[sflag:s22] =	ssyncset.done $0x0  }
0xa6: {  	[sflag:s22] =	ssyncadd.s32 s4;
	_ =	sdelay $0x1  }
0xa7: {  	s23 =	simm.s32 $0x1B8B  }
0xa8: {  	_ =	swait.ge [sflag:s23], $0x1  }
0xa9: {  	[sflag:s23] =	ssyncset.done $0x0  }
0xaa: {  	s25 =	simm.s32 $0x1B8E;
	s24 =	sld [smem:$0x3FFE];
	[sflag:s23] =	ssyncadd.s32 $0xFFFFFFFF  }
0xab: {  	s26 =	simm.s32 $execute0_lowered;
	[smem:$0x3FD2] =	sst s25  }
0xac: {  	s5 =	sshll.u32 s26, $0x1;
	_ =	strace $0x80000046;
	[dreg:$0x1] =	wrdreg $0xFFFFFFFF  }
0xad: {  	s28 =	simm.s32 $_size_execute0_lowered;
	s3 =	sadd.s32 s3, s5;
	[dreg:$0x0] =	wrdreg $0x0  }
0xae: {  	s5 =	sshll.u32 s28, $0x1;
	[dreg:$0x2] =	wrdreg s3  }
0xaf: {  	[dreg:$0x3] =	wrdreg s5  }
0xb0: {  	[dreg:$0x4] =	wrdreg $0xC0  }
0xb1: {  	_ =	task [dreg:s7], $0x5FFFF  }
0xb2: {  	[dreg:$0x1] =	wrdreg $0xFFFFFFFF  }
0xb3: {  	[dreg:$0x0] =	wrdreg $0x60  }
0xb4: {  	[dreg:$0x2] =	wrdreg s24  }
0xb5: {  	[dreg:$0x3] =	wrdreg s16  }
0xb6: {  	[dreg:$0x4] =	wrdreg $0x80000  }
0xb7: {  	[dreg:$0x5] =	wrdreg $0x9  }
0xb8: {  	_ =	task.clear_ibuf [dreg:s7], $0x6FFFF;
	_ =	strace $0x90000046  }
0xb9: {  	s29 =	simm.s32 $0x9;
	_ =	strace $0x80000048  }
0xba: {  	_ =	swait.ge [sflag:s29], $0x1  }
0xbb: {  	[sflag:s29] =	ssyncadd.s32 $0xFFFFFFFF  }
0xbc: {  	_ =	strace $0x90000048  }
0xbd: {  	_ =	sfence  }
0xbe: {  	s30 =	sld [smem:$0x0];
	_ =	sdelay $0x2  }
0xbf: {  	s31 =	sshll.u32 s1, $0xD;
	s1 =	sshrl.u32 s1, $0x2  }
0xc0: {  	s3 =	sand.u32 $0x4000, s31;
	s1 =	sadd.s32 s1, s30  }
0xc1: {  	s0 =	sor.u32 s3, s0;
	s1 =	sshll.u32 s1, $0x11  }
0xc2: {  	s0 =	sor.u32 s1, s0  }
0xc3: {  	s0 =	sadd.s32 $0x8F2B, s0  }
0xc4: {  	[sflag:s0] =	ssyncadd.remote.s32 $0x1  }
0xc5: {  	_ =	sfence.sel $0xFFFF  }
0xc6: {  	[dreg:$0x0] =	wrdreg $0xFFFFFFFF;
	(pc) =	sbr.abs _section_cstart, $3  }
0xc7: {  	[dreg:$0x1] =	wrdreg $0xFFFFFFFF  }
0xc8: {  	_ =	task.clear_ibuf [dreg:s7], $0x2FFFF;
	_ =	strace $0x9FFFFFFF  }
0xc9: {  	(tm) =	ssettm $0x7FFFFFFF  }
tec
execute0_lowered:
.L_overlay_start_1:
0x0: {  	(tag) =	ssettag $0x1  }
0x1: {  	s3 =	rddreg [dreg:$0x0]  }
0x2: {  	s6 =	rddreg [dreg:$0x1]  }
0x3: {  	s1 =	rddreg [dreg:$0x2];
	s2 =	srdreg.scid  }
0x4: {  	s0 =	rddreg [dreg:$0x3];
	s8 =	stileid.u32;
	s11 =	simm.s32 $0x2  }
0x5: {  	s12 =	simm.s32 $0x1;
	s13 =	simm.s32 $0x8C00;
	s14 =	simm.s32 $0x3  }
0x6: {  	s15 =	simm.s32 $0x0;
	s4 =	sand.u32 $0x1, s2;
	s2 =	simm.s32 $0x0  }
0x7: {  	s5 =	sshll.u32 s8, $0x7;
	s3 =	sadd.s32 $0x800, s3;
	p0 =	sne.s32 s8, $0x0  }
0x8: {  	s8 =	simm.s32 $0x8800;
	s7 =	sshll.u32 s4, $0x6;
	s4 =	ssub.s32 $0x2, s4  }
0x9: {  	[smem:$0x7FF] =	sst s2;
	s7 =	sor.u32 s7, s5;
	s31 =	sshrl.u32 s4, $0x1  }
0xa: {  	_ =	strace $0x80000047;
	s9 =	sadd.s32 s7, s3;
	s10 =	ssub.s32 s4, s31  }
0xb: {  	s6 =	sadd.s32 s6, s7;
	s4 =	sadd.s32 $0x1000, s9;
	s5 =	sadd.s32 $0x1800, s9  }
0xc: {  	s7 =	smax.u32 s10, $0x1;
	s9 =	simm.s32 $0x8A00;
	s10 =	sshrl.u32 @!p0 s1, $0x3  }
.LBB2_1:
0xd: {  	[tilespmem:s8], [sflag:$0x2] =	stream.linear.gather [hbm4b:s4+s2], $0x200, $0x38;
	[tilespmem:$0x8E00] =	vst v63  }
0xe: {  	s16 =	simm.s32 @!p0 $0x1C03  }
0xf: {  	[tilespmem:s9], [sflag:$0x2] =	stream.linear.gather [hbm4b:s5+s2], $0x200, $0x38;
	[tilespmem:$0x8E00] =	vst v63  }
0x10: {  	[spmem:s10], [sflag:s16] =	dma.local @!p0 [hbm:s3], $0x1000  }
0x11: {  	s16 =	simm.s32 @!p0 $0x3  }
0x12: {  	_ =	swait.ge @!p0 [sflag:s16], $0x1000  }
0x13: {  	[sflag:s16] =	ssyncset.done @!p0 $0x0  }
0x14: {  	[sflag:s16] =	ssyncadd.s32 @!p0 $0xFFFFF000  }
0x15: {  	[bflag:$0x0] =	sbarrier.arrive $0xFFFF  }
0x16: {  	[tilespmem:s2], [sflag:$0x1] =	stream.linear.gather [spmem:s1], $0x8000, $0x38;
	[tilespmem:$0x8E00] =	vst v63  }
0x17: {  	_ =	swait.ge [sflag:s11], $0x200  }
0x18: {  	[sflag:s11] =	ssyncset.done $0x0  }
0x19: {  	[sflag:s11] =	ssyncadd.s32 $0xFFFFFE00  }
0x1a: {  	_ =	swait.ge [sflag:s11], $0x200  }
0x1b: {  	[sflag:s11] =	ssyncset.done $0x0  }
0x1c: {  	[sflag:s11] =	ssyncadd.s32 $0xFFFFFE00  }
0x1d: {  	_ =	swait.ge [sflag:s12], $0x8000  }
0x1e: {  	[sflag:s12] =	ssyncset.done $0x0  }
0x1f: {  	s16 =	simm.s32 $0x0;
	[sflag:s12] =	ssyncadd.s32 $0xFFFF8000  }
0x20: {  	v0 =	vld [tilespmem:s16+$0x8800]  }
0x21: {  	v1 =	vld [tilespmem:s16+$0x8A00];
	_ =	sdelay $0x3  }
0x22: {  	v0 =	vadd.f32 $1.000000000e+00, v0  }
0x23: {  	v1 =	vadd.f32 $1.000000000e+00, v1  }
0x24: {  	v0 =	vmul.f32 $1.275000000e+02, v0  }
0x25: {  	v1 =	vmul.f32 $1.275000000e+02, v1  }
0x26: {  	v2 =	vtrunc.f32 v0  }
0x27: {  	v3 =	vtrunc.f32 v1;
	v2 =	vcvt.f32.s32 v2  }
0x28: {  	v4 =	vcvt.f32.s32 v3  }
0x29: {  	vm1 =	vlt.s32 v2, $0xFE  }
0x2a: {  	vm0 =	vlt.s32 v4, $0xFE;
	vm2 =	vlt.s32 v2, $0xFD;
	vm5 =	vgt.s32 v4, $0x0  }
0x2b: {  	v5 =	vnsel vm1, $0xFE, v2;
	v6 =	vnsel vm0, $0xFE, v4;
	v9 =	vnsel vm2, $0xFD, v2  }
0x2c: {  	vm2 =	vlt.s32 v4, $0xFD;
	v3 =	vcvt.s32.f32 v5;
	v7 =	vcvt.s32.f32 v6  }
0x2d: {  	v8 =	vadd.s32 $0xFFFFFFFF, v6;
	v14 =	vadd.s32 $0xFFFFFFFF, v5;
	v18 =	vadd.s32 $0x1, v5  }
0x2e: {  	v9 =	vadd.s32 $0x2, v9;
	v6 =	vshll.u32 v6, $0x8;
	v0 =	vsub.f32 v0, v3  }
0x2f: {  	v20 =	vnsel vm2, $0xFD, v4;
	vm2 =	vgt.s32 v2, $0x0;
	vm3 =	vgt.s32 v8, $0x0  }
0x30: {  	v22 =	vadd.s32 $0x100, v6;
	v3 =	vsub.f32 v1, v7;
	v7 =	vadd.f32 $1.000000000e+00, v0  }
0x31: {  	v20 =	vshll.u32 v20, $0x8;
	v6 =	vand.u32 $0x7F00, v6;
	v11 =	vsub.f32 $2.000000000e+00, v0  }
0x32: {  	vm4 =	vgt.s32 v8, $0x7F;
	v10 =	vmul.f32 $1.500000000e+00, v0;
	v13 =	vmul.f32 $5.000000000e-01, v7  }
0x33: {  	v1 =	vnsel vm3, $0x0, v8;
	v15 =	vsub.f32 $1.000000000e+00, v0;
	v16 =	vmul.f32 $5.000000000e-01, v11  }
0x34: {  	v20 =	vadd.s32 $0x200, v20;
	v10 =	vadd.f32 $-2.500000000e+00, v10;
	v13 =	vsub.f32 $2.500000000e+00, v13  }
0x35: {  	v1 =	vshll.u32 v1, $0x8;
	v21 =	vmul.f32 $1.500000000e+00, v15;
	v16 =	vsub.f32 $2.500000000e+00, v16  }
0x36: {  	v1 =	vand.u32 $0x7F00, v1;
	v10 =	vmul.f32 v10, v0;
	v13 =	vmul.f32 v13, v7  }
0x37: {  	v12 =	vsub.f32 $1.000000000e+00, v3;
	v19 =	vadd.s32 v5, v1;
	v16 =	vmul.f32 v16, v11  }
0x38: {  	v21 =	vadd.f32 $-2.500000000e+00, v21;
	v0 =	vmul.f32 v10, v0;
	v13 =	vadd.f32 $-4.000000000e+00, v13  }
0x39: {  	vm3 =	vgt.s32 v14, $0x0;
	v17 =	vsub.f32 $2.000000000e+00, v3;
	v16 =	vadd.f32 $-4.000000000e+00, v16  }
0x3a: {  	v27 =	vadd.f32 $1.000000000e+00, v0;
	v2 =	vmul.f32 v13, v7;
	v7 =	vmul.f32 v21, v15  }
0x3b: {  	v10 =	vmul.f32 v16, v11;
	v13 =	vadd.s32 v9, v1;
	v16 =	vand.u32 $0x7F00, v22  }
0x3c: {  	v11 =	vld.idx.msk [tilespmem:v19+s2+$0x0], $0xffff;
	v19 =	vadd.f32 $1.000000000e+00, v3;
	v22 =	vadd.s32 v5, v6;
	v2 =	vadd.f32 $2.000000000e+00, v2  }
0x3d: {  	v21 =	vadd.s32 v5, v16;
	v23 =	vadd.s32 v18, v16;
	v28 =	vadd.s32 v9, v16  }
0x3e: {  	v10 =	vadd.f32 $2.000000000e+00, v10;
	v0 =	vnsel vm2, $0x0, v2;
	v2 =	vnsel vm3, $0x0, v14  }
0x3f: {  	v7 =	vmul.f32 v7, v15;
	v14 =	vand.u32 $0x7F00, v20;
	v15 =	vadd.s32 v2, v1  }
0x40: {  	v20 =	vadd.s32 v18, v1;
	vm2 =	vgt.s32 v4, $0x7E;
	vm3 =	vgt.s32 v4, $0x7F  }
0x41: {  	v1 =	vshll.u32 v11, $0x10;
	v8 =	vand.u32 $0xFFFF0000, v11;
	v11 =	vadd.s32 v9, v6;
	v13 =	vld.idx.msk [tilespmem:v13+s2+$0x0], $0xffff  }
0x42: {  	v24 =	vadd.s32 v2, v6;
	v25 =	vadd.s32 v2, v16;
	v26 =	vadd.s32 v2, v14;
	v22 =	vld.idx.msk [tilespmem:v22+s2+$0x0], $0xffff  }
0x43: {  	v16 =	vadd.s32 v5, v14;
	v2 =	vadd.f32 $1.000000000e+00, v7;
	v7 =	vmul.f32 $1.500000000e+00, v3;
	v23 =	vld.idx.msk [tilespmem:v23+s2+$0x0], $0xffff  }
0x44: {  	v8 =	vsel vm4, v8, v1;
	v1 =	vnsel vm1, $0x0, v10;
	v10 =	vmul.f32 $5.000000000e-01, v17;
	v5 =	vld.idx.msk [tilespmem:v15+s2+$0x0], $0xffff  }
0x45: {  	v6 =	vadd.s32 v18, v6;
	v29 =	vmul.f32 v8, v27;
	v8 =	vmul.f32 $5.000000000e-01, v19;
	v15 =	vld.idx.msk [tilespmem:v20+s2+$0x0], $0xffff  }
0x46: {  	v18 =	vadd.s32 v18, v14;
	v9 =	vadd.s32 v9, v14;
	v7 =	vadd.f32 $-2.500000000e+00, v7;
	v20 =	vld.idx.msk [tilespmem:v21+s2+$0x0], $0xffff  }
0x47: {  	vm1 =	vgt.s32 v4, $0x7D;
	v10 =	vsub.f32 $2.500000000e+00, v10;
	v8 =	vsub.f32 $2.500000000e+00, v8;
	v14 =	vld.idx.msk [tilespmem:v24+s2+$0x0], $0xffff  }
0x48: {  	v7 =	vmul.f32 v7, v3;
	v21 =	vshll.u32 v13, $0x10;
	v13 =	vand.u32 $0xFFFF0000, v13;
	v24 =	vld.idx.msk [tilespmem:v26+s2+$0x0], $0xffff  }
0x49: {  	v10 =	vmul.f32 v10, v17;
	v34 =	vld.idx.msk [tilespmem:v25+s2+$0x0], $0xffff;
	v25 =	vand.u32 $0xFFFF0000, v22;
	v22 =	vshll.u32 v22, $0x10  }
0x4a: {  	v30 =	vld.idx.msk [tilespmem:v11+s2+$0x0], $0xffff;
	v13 =	vsel vm4, v13, v21;
	v21 =	vmul.f32 $1.500000000e+00, v12;
	v8 =	vmul.f32 v8, v19  }
0x4b: {  	v59 =	vld.idx.msk [tilespmem:v16+s2+$0x0], $0xffff;
	v33 =	vshll.u32 v23, $0x10;
	v22 =	vsel vm3, v25, v22;
	v10 =	vadd.f32 $-4.000000000e+00, v10  }
0x4c: {  	v63 =	vmul.f32 v22, v27;
	v22 =	vmul.f32 v7, v3;
	v11 =	vadd.f32 $-2.500000000e+00, v21  }
0x4d: {  	v8 =	vadd.f32 $-4.000000000e+00, v8;
	v17 =	vmul.f32 v10, v17;
	v26 =	vshll.u32 v5, $0x10  }
0x4e: {  	v18 =	vld.idx.msk [tilespmem:v18+s2+$0x0], $0xffff;
	v5 =	vand.u32 $0xFFFF0000, v5;
	v31 =	vshll.u32 v20, $0x10;
	v4 =	vmul.f32 v11, v12  }
0x4f: {  	v32 =	vshll.u32 v14, $0x10;
	v20 =	vand.u32 $0xFFFF0000, v20;
	v11 =	vshll.u32 v30, $0x10  }
0x50: {  	v10 =	vshll.u32 v24, $0x10;
	v19 =	vmul.f32 v8, v19;
	v35 =	vand.u32 $0xFFFF0000, v59  }
0x51: {  	v25 =	vshll.u32 v59, $0x10;
	v21 =	vsel vm4, v5, v26;
	v26 =	vld.idx.msk [tilespmem:v6+s2+$0x0], $0xffff;
	v6 =	vmul.f32 v13, v1  }
0x52: {  	v5 =	vld.idx.msk [tilespmem:v9+s2+$0x0], $0xffff;
	v9 =	vand.u32 $0xFFFF0000, v14;
	v14 =	vand.u32 $0xFFFF0000, v23;
	v8 =	vadd.f32 $2.000000000e+00, v17  }
0x53: {  	v13 =	vand.u32 $0xFFFF0000, v18;
	v62 =	vsel vm1, v35, v25;
	v25 =	vand.u32 $0xFFFF0000, v24  }
0x54: {  	v24 =	vand.u32 $0xFFFF0000, v34;
	v3 =	vsel vm2, v20, v31;
	v4 =	vmul.f32 v4, v12  }
0x55: {  	v12 =	vand.u32 $0xFFFF0000, v15;
	v9 =	vsel vm3, v9, v32;
	v16 =	vmul.f32 v21, v0  }
0x56: {  	v15 =	vshll.u32 v15, $0x10;
	v33 =	vsel vm2, v14, v33;
	v3 =	vmul.f32 v3, v27  }
0x57: {  	v7 =	vmul.f32 v62, v27;
	v12 =	vsel vm4, v12, v15;
	v60 =	vmul.f32 v9, v0  }
0x58: {  	v28 =	vld.idx.msk [tilespmem:v28+s2+$0x0], $0xffff;
	v15 =	vshll.u32 v18, $0x10;
	v18 =	vadd.f32 $2.000000000e+00, v19;
	v19 =	vshll.u32 v34, $0x10  }
0x59: {  	v4 =	vadd.f32 $1.000000000e+00, v4;
	v21 =	vadd.f32 $0.0e+00, v16;
	v16 =	vand.u32 $0xFFFF0000, v30  }
0x5a: {  	v17 =	vmul.f32 v12, v2;
	v12 =	vmul.f32 v33, v2;
	v14 =	vnsel vm5, $0x0, v18  }
0x5b: {  	v61 =	vadd.f32 $0.0e+00, v60;
	v23 =	vshll.u32 v26, $0x10;
	v26 =	vand.u32 $0xFFFF0000, v26  }
0x5c: {  	v9 =	vshll.u32 v5, $0x10;
	v21 =	vadd.f32 v21, v29;
	v18 =	vsel vm3, v26, v23  }
0x5d: {  	s17 =	simm.s32 $0x40;
	v23 =	vand.u32 $0xFFFF0000, v28;
	v26 =	vshll.u32 v28, $0x10;
	v20 =	vadd.f32 v61, v63  }
.LBB2_2:
0x5e: {  	s18 =	sshra.s32 s17, $0x2;
	p1 =	sne.s32 s17, $0x7C0;
	s17 =	sadd.s32 $0x40, s17;
	v11 =	vsel vm3, v16, v11;
	v16 =	vsel vm2, v23, v26;
	v10 =	vsel vm1, v25, v10  }
0x5f: {  	v17 =	vadd.f32 v21, v17;
	v23 =	vld [tilespmem:s18+$0x8800];
	v11 =	vmul.f32 v11, v1;
	v10 =	vmul.f32 v10, v0  }
0x60: {  	v19 =	vsel vm2, v24, v19;
	v13 =	vsel vm1, v13, v15;
	v16 =	vmul.f32 v16, v1;
	v21 =	vld [tilespmem:s18+$0x8A00]  }
0x61: {  	v15 =	vmul.f32 v18, v2;
	v2 =	vmul.f32 v13, v2;
	v10 =	vadd.f32 $0.0e+00, v10  }
0x62: {  	v8 =	vnsel vm0, $0x0, v8;
	v13 =	vadd.f32 $1.000000000e+00, v22;
	v0 =	vmul.f32 v19, v0  }
0x63: {  	v5 =	vand.u32 $0xFFFF0000, v5;
	v6 =	vadd.f32 v17, v6;
	v7 =	vadd.f32 v7, v10  }
0x64: {  	v5 =	vsel vm1, v5, v9;
	v0 =	vadd.f32 $0.0e+00, v0;
	v10 =	vadd.f32 $1.000000000e+00, v23  }
0x65: {  	v6 =	vmul.f32 v6, v14;
	v14 =	vadd.f32 v20, v15;
	v9 =	vadd.f32 $1.000000000e+00, v21  }
0x66: {  	v0 =	vadd.f32 v0, v3;
	v2 =	vadd.f32 v2, v7;
	v10 =	vmul.f32 $1.275000000e+02, v10  }
0x67: {  	v1 =	vmul.f32 v5, v1;
	v7 =	vadd.f32 v14, v11;
	v3 =	vmul.f32 $1.275000000e+02, v9  }
0x68: {  	v6 =	vadd.f32 $0.0e+00, v6;
	v0 =	vadd.f32 v0, v12;
	v5 =	vtrunc.f32 v10  }
0x69: {  	v1 =	vadd.f32 v1, v2;
	v9 =	vcvt.f32.s32 v5;
	v5 =	vtrunc.f32 v3  }
0x6a: {  	v2 =	vmul.f32 v7, v13;
	v0 =	vadd.f32 v0, v16;
	v5 =	vcvt.f32.s32 v5  }
0x6b: {  	v1 =	vmul.f32 v1, v8;
	vm1 =	vlt.s32 v9, $0xFE;
	vm2 =	vlt.s32 v9, $0xFD  }
0x6c: {  	v2 =	vadd.f32 v6, v2;
	v8 =	vnsel vm1, $0xFE, v9;
	vm0 =	vlt.s32 v5, $0xFE  }
0x6d: {  	v0 =	vmul.f32 v0, v4;
	v6 =	vnsel vm0, $0xFE, v5;
	v7 =	vcvt.s32.f32 v8  }
0x6e: {  	v11 =	vnsel vm2, $0xFD, v9;
	v4 =	vcvt.s32.f32 v6;
	v12 =	vadd.s32 $0xFFFFFFFF, v6  }
0x6f: {  	v0 =	vadd.f32 v2, v0;
	v7 =	vsub.f32 v10, v7;
	vm2 =	vgt.s32 v12, $0x0  }
0x70: {  	v3 =	vsub.f32 v3, v4;
	v2 =	vnsel vm2, $0x0, v12;
	vm2 =	vlt.s32 v5, $0xFD  }
0x71: {  	v0 =	vadd.f32 v1, v0;
	v10 =	vadd.f32 $1.000000000e+00, v7;
	v13 =	vmul.f32 $1.500000000e+00, v7  }
0x72: {  	v1 =	vsub.f32 $2.000000000e+00, v7;
	v2 =	vshll.u32 v2, $0x8;
	v4 =	vsub.f32 $1.000000000e+00, v3  }
0x73: {  	v15 =	vadd.s32 $0xFFFFFFFF, v8;
	v2 =	vand.u32 $0x7F00, v2;
	v14 =	vmul.f32 $5.000000000e-01, v10;
	[tilespmem:s16+$0x8C00] =	vst v0;
	s16 =	smov.u32 s18  }
0x74: {  	v16 =	vsub.f32 $1.000000000e+00, v7;
	v17 =	vsub.f32 $2.000000000e+00, v3;
	v0 =	vmul.f32 $5.000000000e-01, v1  }
0x75: {  	v18 =	vadd.s32 $0x1, v8;
	v19 =	vadd.s32 v8, v2;
	v14 =	vsub.f32 $2.500000000e+00, v14  }
0x76: {  	v11 =	vadd.s32 $0x2, v11;
	v6 =	vshll.u32 v6, $0x8;
	v0 =	vsub.f32 $2.500000000e+00, v0  }
0x77: {  	v20 =	vnsel vm2, $0xFD, v5;
	v13 =	vadd.f32 $-2.500000000e+00, v13;
	v14 =	vmul.f32 v14, v10  }
0x78: {  	v22 =	vadd.s32 $0x100, v6;
	v21 =	vmul.f32 $1.500000000e+00, v16;
	v0 =	vmul.f32 v0, v1  }
0x79: {  	v20 =	vshll.u32 v20, $0x8;
	v13 =	vmul.f32 v13, v7;
	v14 =	vadd.f32 $-4.000000000e+00, v14  }
0x7a: {  	v20 =	vadd.s32 $0x200, v20;
	v21 =	vadd.f32 $-2.500000000e+00, v21;
	v0 =	vadd.f32 $-4.000000000e+00, v0  }
0x7b: {  	vm2 =	vgt.s32 v9, $0x0;
	v7 =	vmul.f32 v13, v7;
	v9 =	vmul.f32 v14, v10  }
0x7c: {  	v6 =	vand.u32 $0x7F00, v6;
	v10 =	vmul.f32 v21, v16;
	v0 =	vmul.f32 v0, v1;
	v1 =	vld.idx.msk [tilespmem:v19+s2+$0x0], $0xffff  }
0x7d: {  	v13 =	vadd.s32 v11, v2;
	v14 =	vand.u32 $0x7F00, v22;
	v9 =	vadd.f32 $2.000000000e+00, v9  }
0x7e: {  	vm3 =	vgt.s32 v15, $0x0;
	v7 =	vadd.f32 $1.000000000e+00, v7;
	v19 =	vadd.f32 $2.000000000e+00, v0  }
0x7f: {  	v0 =	vnsel vm2, $0x0, v9;
	v9 =	vnsel vm3, $0x0, v15;
	v15 =	vand.u32 $0x7F00, v20  }
0x80: {  	v21 =	vadd.s32 v18, v2;
	v22 =	vadd.s32 v8, v14;
	v20 =	vadd.f32 $1.000000000e+00, v3  }
0x81: {  	v10 =	vmul.f32 v10, v16;
	v16 =	vadd.s32 v8, v6;
	v2 =	vadd.s32 v9, v2  }
0x82: {  	vm4 =	vgt.s32 v12, $0x7F;
	v12 =	vshll.u32 v1, $0x10;
	v1 =	vand.u32 $0xFFFF0000, v1  }
0x83: {  	v23 =	vadd.s32 v11, v6;
	v24 =	vadd.s32 v18, v14;
	v12 =	vsel vm4, v1, v12;
	v13 =	vld.idx.msk [tilespmem:v13+s2+$0x0], $0xffff  }
0x84: {  	v25 =	vadd.s32 v9, v6;
	v26 =	vadd.s32 v9, v14;
	v9 =	vadd.s32 v9, v15  }
0x85: {  	v14 =	vadd.s32 v11, v14;
	v1 =	vnsel vm1, $0x0, v19;
	vm1 =	vgt.s32 v5, $0x7D;
	v19 =	vld.idx.msk [tilespmem:v21+s2+$0x0], $0xffff  }
0x86: {  	v6 =	vadd.s32 v18, v6;
	v8 =	vadd.s32 v8, v15;
	v21 =	vmul.f32 $5.000000000e-01, v17;
	v27 =	vld.idx.msk [tilespmem:v2+s2+$0x0], $0xffff  }
0x87: {  	v12 =	vmul.f32 v12, v7;
	v2 =	vadd.f32 $1.000000000e+00, v10;
	v10 =	vmul.f32 $1.500000000e+00, v3;
	v28 =	vld.idx.msk [tilespmem:v16+s2+$0x0], $0xffff  }
0x88: {  	v18 =	vadd.s32 v18, v15;
	v16 =	vmul.f32 $5.000000000e-01, v20;
	v21 =	vsub.f32 $2.500000000e+00, v21;
	v22 =	vld.idx.msk [tilespmem:v22+s2+$0x0], $0xffff  }
0x89: {  	vm2 =	vgt.s32 v5, $0x7E;
	v29 =	vshll.u32 v13, $0x10;
	v13 =	vand.u32 $0xFFFF0000, v13;
	v24 =	vld.idx.msk [tilespmem:v24+s2+$0x0], $0xffff  }
0x8a: {  	v11 =	vadd.s32 v11, v15;
	v16 =	vsub.f32 $2.500000000e+00, v16;
	v13 =	vsel vm4, v13, v29;
	v25 =	vld.idx.msk [tilespmem:v25+s2+$0x0], $0xffff  }
0x8b: {  	vm3 =	vgt.s32 v5, $0x7F;
	v15 =	vmul.f32 $1.500000000e+00, v4;
	v21 =	vmul.f32 v21, v17;
	v29 =	vld.idx.msk [tilespmem:v9+s2+$0x0], $0xffff  }
0x8c: {  	v30 =	vadd.f32 $-2.500000000e+00, v10;
	v9 =	vmul.f32 v16, v20;
	v10 =	vshll.u32 v27, $0x10;
	v16 =	vld.idx.msk [tilespmem:v23+s2+$0x0], $0xffff  }
0x8d: {  	v15 =	vadd.f32 $-2.500000000e+00, v15;
	v21 =	vadd.f32 $-4.000000000e+00, v21;
	v23 =	vand.u32 $0xFFFF0000, v27;
	v18 =	vld.idx.msk [tilespmem:v18+s2+$0x0], $0xffff  }
0x8e: {  	vm5 =	vgt.s32 v5, $0x0;
	v23 =	vsel vm4, v23, v10;
	v31 =	vshll.u32 v22, $0x10;
	v27 =	vld.idx.msk [tilespmem:v6+s2+$0x0], $0xffff  }
0x8f: {  	v9 =	vadd.f32 $-4.000000000e+00, v9;
	v6 =	vmul.f32 v15, v4;
	v15 =	vmul.f32 v21, v17;
	v5 =	vld.idx.msk [tilespmem:v11+s2+$0x0], $0xffff  }
0x90: {  	v33 =	vand.u32 $0xFFFF0000, v22;
	v21 =	vshll.u32 v24, $0x10;
	v17 =	vshll.u32 v25, $0x10;
	v32 =	vld.idx.msk [tilespmem:v26+s2+$0x0], $0xffff  }
0x91: {  	v22 =	vand.u32 $0xFFFF0000, v19;
	v4 =	vmul.f32 v6, v4;
	v6 =	vmul.f32 v13, v1;
	v26 =	vld.idx.msk [tilespmem:v8+s2+$0x0], $0xffff  }
0x92: {  	v10 =	vshll.u32 v29, $0x10;
	v8 =	vand.u32 $0xFFFF0000, v25;
	v11 =	vshll.u32 v16, $0x10  }
0x93: {  	v24 =	vand.u32 $0xFFFF0000, v24;
	v4 =	vadd.f32 $1.000000000e+00, v4;
	v17 =	vsel vm3, v8, v17  }
0x94: {  	v20 =	vmul.f32 v9, v20;
	v9 =	vmul.f32 v23, v0;
	v8 =	vadd.f32 $2.000000000e+00, v15  }
0x95: {  	v15 =	vshll.u32 v19, $0x10;
	v13 =	vand.u32 $0xFFFF0000, v18;
	v23 =	vshll.u32 v27, $0x10;
	v25 =	vld.idx.msk [tilespmem:v14+s2+$0x0], $0xffff  }
0x96: {  	v34 =	vadd.f32 $0.0e+00, v9;
	v16 =	vand.u32 $0xFFFF0000, v16;
	v14 =	vand.u32 $0xFFFF0000, v28  }
0x97: {  	v19 =	vsel vm4, v22, v15;
	v22 =	vmul.f32 v17, v0;
	v9 =	vshll.u32 v5, $0x10  }
0x98: {  	v27 =	vand.u32 $0xFFFF0000, v27;
	v15 =	vshll.u32 v18, $0x10;
	v28 =	vshll.u32 v28, $0x10  }
0x99: {  	v18 =	vadd.f32 $2.000000000e+00, v20;
	v20 =	vsel vm2, v24, v21;
	v24 =	vand.u32 $0xFFFF0000, v26  }
0x9a: {  	v17 =	vmul.f32 v19, v2;
	v19 =	vshll.u32 v32, $0x10;
	v28 =	vsel vm3, v14, v28  }
0x9b: {  	v21 =	vadd.f32 v34, v12;
	v12 =	vmul.f32 v20, v2;
	v14 =	vnsel vm5, $0x0, v18  }
.Ltmp0:
0x9c: {  	v18 =	vsel vm3, v27, v23;
	v20 =	vshll.u32 v26, $0x10;
	v23 =	vand.u32 $0xFFFF0000, v25;
	(pc) =	sbr.rel @p1 .LBB2_2-.Ltmp0, $4  }
0x9d: {  	v27 =	vmul.f32 v30, v3;
	v30 =	vadd.f32 $0.0e+00, v22;
	v34 =	vsel vm1, v24, v20  }
0x9e: {  	v20 =	vmul.f32 v28, v7;
	v26 =	vshll.u32 v25, $0x10;
	v25 =	vand.u32 $0xFFFF0000, v29  }
0x9f: {  	v24 =	vand.u32 $0xFFFF0000, v32;
	v22 =	vmul.f32 v27, v3;
	v3 =	vsel vm2, v33, v31  }
0xa0: {  	v20 =	vadd.f32 v30, v20;
	v3 =	vmul.f32 v3, v7;
	v7 =	vmul.f32 v34, v7  }
0xa1: {  	v11 =	vsel vm3, v16, v11;
	v49 =	vsel vm2, v23, v26;
	v19 =	vsel vm2, v24, v19  }
0xa2: {  	v10 =	vsel vm1, v25, v10;
	v17 =	vadd.f32 v21, v17;
	v19 =	vmul.f32 v19, v0  }
0xa3: {  	v13 =	vsel vm1, v13, v15;
	v52 =	vmul.f32 v18, v2;
	v5 =	vand.u32 $0xFFFF0000, v5  }
0xa4: {  	v56 =	vadd.f32 $1.000000000e+00, v22;
	v50 =	vmul.f32 v10, v0;
	v53 =	vadd.f32 $0.0e+00, v19  }
0xa5: {  	v11 =	vmul.f32 v11, v1;
	v6 =	vadd.f32 v17, v6;
	v55 =	vadd.f32 v20, v52  }
0xa6: {  	v51 =	vmul.f32 v49, v1;
	v0 =	vadd.f32 $0.0e+00, v50;
	v3 =	vadd.f32 v53, v3  }
0xa7: {  	v54 =	vmul.f32 v13, v2;
	v6 =	vmul.f32 v6, v14;
	v57 =	vadd.f32 v55, v11  }
0xa8: {  	v5 =	vsel vm1, v5, v9;
	v0 =	vadd.f32 v7, v0;
	v3 =	vadd.f32 v3, v12  }
0xa9: {  	v58 =	vmul.f32 v5, v1;
	v59 =	vadd.f32 $0.0e+00, v6  }
0xaa: {  	v60 =	vmul.f32 v57, v56;
	v0 =	vadd.f32 v54, v0;
	v3 =	vadd.f32 v3, v51;
	_ =	sdelay $0x1  }
0xab: {  	v61 =	vadd.f32 v59, v60;
	v0 =	vadd.f32 v58, v0;
	v62 =	vmul.f32 v3, v4  }
0xac: {  	v63 =	vnsel vm0, $0x0, v8  }
0xad: {  	v0 =	vmul.f32 v0, v63;
	v1 =	vadd.f32 v61, v62;
	_ =	sdelay $0x1  }
0xae: {  	s15 =	sadd.s32 $0x1, s15;
	v0 =	vadd.f32 v0, v1  }
0xaf: {  	p1 =	sne.s32 s15, s7  }
.Ltmp1:
0xb0: {  	[tilespmem:s16+$0x8C00] =	vst v0;
	(pc) =	sbr.rel @p1 .LBB2_1-.Ltmp1, $4  }
0xb1: {  	[hbm4b:s6+s2] =	stream.linear.scatter [tilespmem:s13], [sflag:$0x3], $0x200, $0x38;
	[tilespmem:$0x8E00] =	vst v63  }
0xb2: {  	_ =	swait.ge [sflag:s14], $0x200  }
0xb3: {  	[sflag:s14] =	ssyncset.done $0x0  }
0xb4: {  	[sflag:s14] =	ssyncadd.s32 $0xFFFFFE00  }
0xb5: {  	_ =	sfence.sel $0x180000  }
0xb6: {  	[bflag:$0x0] =	sbarrier.arrive $0xFFFF  }
0xb7: {  	_ =	strace $0x90000047  }
0xb8: {  	s0 =	sadd.s32 @!p0 $0x100000, s0;
	[bflag:$0x2] =	sbarrier.arrive $0xFFFF  }
0xb9: {  	[sflag:s0] =	ssyncadd.tile.s32 @!p0 $0x1;
	_ =	shalt  }
.Lfunc_end2:
_tile_overlayer_lowered:
.L_overlay_start_2:
0xba: {  	(tag) =	ssettag $0x2  }
0xbb: {  	s0 =	rddreg [dreg:$0x0];
	s2 =	stileid.u32  }
0xbc: {  	s1 =	rddreg [dreg:$0x1];
	p0 =	sne.s32 s2, $0x0  }
0xbd: {  	s3 =	rddreg [dreg:$0x2];
	[bflag:$0x3] =	sbarrier.arrive $0xFFFF;
	s2 =	simm.s32 @!p0 $0x1C03  }
0xbe: {  	[timem:s3], [sflag:s2] =	dma.local @!p0 [hbm:s0], s1  }
0xbf: {  	s0 =	simm.s32 @!p0 $0x3  }
0xc0: {  	_ =	swait.ge @!p0 [sflag:s0], s1  }
0xc1: {  	s1 =	ssub.s32 @!p0 $0x0, s1;
	[sflag:s0] =	ssyncset.done @!p0 $0x0  }
0xc2: {  	[sflag:s0] =	ssyncadd.s32 @!p0 s1  }
0xc3: {  	[bflag:$0x3] =	sbarrier.arrive $0xFFFF  }
0xc4: {  	_ =	shalt  }

</sc_bundles>
